<compile_context>
chip_gen: v7x
topology: tpu7x:2x2x1
jax: 0.10.2.dev20260603
libtpu: 0.0.44.dev20260713+nightly
codegen_flags: <defaults>
</compile_context>

<pallas_src>
import functools

import jax
import jax.numpy as jnp
from jax import lax
from jax.experimental import pallas as pl
from jax.experimental.pallas import tpu as pltpu
from jax.experimental.pallas import tpu_sc as plsc

N_WORKERS = 32
LANES = 16


def _matvec_body(x_ref, w_ref, b_ref, o_ref):
    res = lax.dot_general(
        w_ref[...], x_ref[...],
        dimension_numbers=(((1,), (1,)), ((), ())),
        preferred_element_type=jnp.float32,
    ) + b_ref[0]
    o_ref[...] = res[0]


def _elevation(x, W, b):
    n = x.shape[0]
    return pl.pallas_call(
        _matvec_body,
        out_shape=jax.ShapeDtypeStruct((n,), jnp.float32),
        in_specs=[
            pl.BlockSpec(memory_space=pltpu.VMEM),
            pl.BlockSpec(memory_space=pltpu.VMEM),
            pl.BlockSpec(memory_space=pltpu.SMEM),
        ],
        out_specs=pl.BlockSpec(memory_space=pltpu.VMEM),
    )(x, W, b)


@functools.lru_cache(maxsize=None)
def _make_edge_accum(n, e_total):
    assert e_total % 128 == 0 and n % LANES == 0
    col_tiles = e_total // 128
    tpw = col_tiles // N_WORKERS
    n_big = col_tiles - tpw * N_WORKERS
    w_sml = N_WORKERS - n_big
    chunk = (tpw + (1 if n_big else 0)) * 128
    assert (tpw + 1) * 128 < (1 << 14)
    mesh = plsc.VectorSubcoreMesh(core_axis_name="c", subcore_axis_name="s")

    @functools.partial(
        pl.kernel,
        mesh=mesh,
        out_type=(
            jax.ShapeDtypeStruct((N_WORKERS, n), jnp.int32),
            jax.ShapeDtypeStruct((2 * N_WORKERS, n), jnp.float32),
        ),
        compiler_params=pltpu.CompilerParams(needs_layout_passes=False),
        scratch_types=[
            pltpu.VMEM((n,), jnp.float32),
            pltpu.VMEM((2, chunk), jnp.int32),
            pltpu.VMEM((n,), jnp.int32),
            pltpu.VMEM((n,), jnp.float32),
            pltpu.VMEM((n,), jnp.float32),
            pltpu.SemaphoreType.DMA,
        ],
    )
    def edge_accum(e_hbm, ei_hbm, a_hbm, f_hbm,
                   e_v, ei_v, a_v, sum_v, eq_v, sem):
        c = lax.axis_index("c")
        s = lax.axis_index("s")
        wid = s * 2 + c
        start_tile = tpw * wid + jnp.maximum(wid - w_sml, 0)
        n_my_vec = (tpw + jnp.where(wid >= w_sml, 1, 0)) * (128 // LANES)
        half = (chunk // 2) // 128 * 128
        half_vec = half // LANES
        cp_e = pltpu.async_copy(e_hbm, e_v, sem)
        cp_i1 = pltpu.async_copy(
            ei_hbm.at[:, pl.ds(start_tile * 128, half)],
            ei_v.at[:, pl.ds(0, half)], sem)
        cp_i2 = pltpu.async_copy(
            ei_hbm.at[:, pl.ds(start_tile * 128 + half, chunk - half)],
            ei_v.at[:, pl.ds(half, chunk - half)], sem)

        zeros16f = jnp.zeros((LANES,), jnp.float32)
        zeros16i = jnp.zeros((LANES,), jnp.int32)

        @plsc.parallel_loop(0, n // LANES, unroll=8)
        def _(i):
            sl = pl.ds(i * LANES, LANES)
            a_v[sl] = zeros16i
            sum_v[sl] = zeros16f
            eq_v[sl] = zeros16f

        ones16f = jnp.ones((LANES,), jnp.float32)
        packed16 = jnp.full((LANES,), (1 << 14) + 1, jnp.int32)
        ones16i = jnp.ones((LANES,), jnp.int32)

        def edge_vec(i):
            sl = pl.ds(i * LANES, LANES)
            sv = ei_v[0, sl]
            dv = ei_v[1, sl]
            es = plsc.load_gather(e_v, [sv])
            ed = plsc.load_gather(e_v, [dv])
            plsc.addupdate_scatter(
                a_v, [dv], jnp.where(ed >= es, packed16, ones16i))
            plsc.addupdate_scatter(sum_v, [dv], es)
            plsc.addupdate_scatter(eq_v, [dv], ones16f, mask=ed == es)

        cp_e.wait()
        cp_i1.wait()

        @plsc.parallel_loop(0, half_vec, unroll=16)
        def _(i):
            edge_vec(i)

        cp_i2.wait()

        @plsc.parallel_loop(half_vec, n_my_vec, unroll=16)
        def _(i):
            edge_vec(i)

        cp_a = pltpu.async_copy(a_v, a_hbm.at[wid], sem)
        cp_s = pltpu.async_copy(sum_v, f_hbm.at[wid], sem)
        cp_q = pltpu.async_copy(eq_v, f_hbm.at[N_WORKERS + wid], sem)
        cp_a.wait()
        cp_s.wait()
        cp_q.wait()

    return edge_accum


def _epilogue_body(a_ref, f_ref, e_ref, sm_ref, pk_ref, tr_ref):
    w = N_WORKERS
    a = a_ref[...]
    cnt_i = jnp.sum(a & ((1 << 14) - 1), axis=0, keepdims=True)
    gt_i = jnp.sum(a >> 14, axis=0, keepdims=True)
    cnt = cnt_i[0].astype(jnp.float32)
    gt = gt_i[0].astype(jnp.float32)
    ssum = jnp.sum(f_ref[0:w, :], axis=0, keepdims=True)[0]
    eq = jnp.sum(f_ref[w:2 * w, :], axis=0, keepdims=True)[0]
    lt = cnt - gt + eq
    e = e_ref[...]
    sm_ref[...] = (ssum + e) / (cnt + 1.0)
    pk_ref[...] = gt == cnt
    tr_ref[...] = lt == cnt


def _epilogue(a_part, f_part, e):
    n = e.shape[0]
    return pl.pallas_call(
        _epilogue_body,
        out_shape=(
            jax.ShapeDtypeStruct((n,), jnp.float32),
            jax.ShapeDtypeStruct((n,), jnp.bool_),
            jax.ShapeDtypeStruct((n,), jnp.bool_),
        ),
    )(a_part, f_part, e)


def kernel(x, edge_index, batch, W, b):
    n = x.shape[0]
    e_total = edge_index.shape[1]
    ei = edge_index.astype(jnp.int32)

    e = _elevation(x, W, b)

    a_part, f_part = _make_edge_accum(n, e_total)(e, ei)

    return _epilogue(a_part, f_part, e)

# --- scband reference (transcript-rebuilt; emitter-appended) ---
"""Pipeline reference for scband-topo-pool-v3-13460427505956 (READ-ONLY COPY).

The authoritative reference and input builder live on the scoring server;
editing this copy changes nothing except your own understanding.
"""

import jax, jax.numpy as jnp
import numpy as np

N_NODES = 10000
N_EDGES = 320000
D_FEAT = 128


def setup_inputs(seed: int = 0) -> dict:
    key = jax.random.key(seed)
    k1, k2, k3, k4 = jax.random.split(key, 4)
    x = jax.random.normal(k1, (N_NODES, D_FEAT), dtype=jnp.float32)
    edge_index = jax.random.randint(k2, (2, N_EDGES), 0, N_NODES, dtype=jnp.int64)
    batch = jnp.zeros((N_NODES,), dtype=jnp.int64)
    # learned params of nn.Linear(in_channels, 1, bias=True)
    W = jax.random.normal(k3, (1, D_FEAT), dtype=jnp.float32) / jnp.sqrt(D_FEAT)
    b = jax.random.normal(k4, (1,), dtype=jnp.float32) * 0.01
    return {"x": x, "edge_index": edge_index, "batch": batch, "W": W, "b": b}


def reference(x, edge_index, batch, W, b):
    N = x.shape[0]
    # elevation = self.mapper(x)  -> [N, 1]
    elevation = x @ W.T + b
    e = elevation[:, 0]

    # add_self_loops(edge_index, num_nodes=N)
    loops = jnp.arange(N, dtype=edge_index.dtype)
    src = jnp.concatenate([edge_index[0], loops])  # x_j (source)
    dst = jnp.concatenate([edge_index[1], loops])  # x_i (target / aggregation index)

    ones = jnp.ones_like(dst, dtype=jnp.float32)
    deg = jax.ops.segment_sum(ones, dst, num_segments=N)

    # Smoothing: aggregate mean of source elevations at each target
    smoothed = jax.ops.segment_sum(e[src], dst, num_segments=N) / jnp.maximum(deg, 1.0)

    # Clusterer_MT message/aggregate: peaks and troughs
    gt = (e[dst] >= e[src]).astype(jnp.float32)
    lt = (e[dst] <= e[src]).astype(jnp.float32)
    gt_sum = jax.ops.segment_sum(gt, dst, num_segments=N)
    lt_sum = jax.ops.segment_sum(lt, dst, num_segments=N)
    peaks_mask = gt_sum == deg
    troughs_mask = lt_sum == deg

    return (smoothed, peaks_mask, troughs_mask)

if __name__ == "__main__":
    import jax
    _d = setup_inputs()
    print(jax.jit(kernel)(*tuple(_d.values())))

</pallas_src>

<mosaic_0001>
#map = affine_map<(d0, d1) -> (0)>
#map1 = affine_map<(d0, d1) -> (0, 0)>
module attributes {stable_mosaic.version = 14 : i64} {
  func.func @edge_accum(%arg0: i32, %arg1: i32, %arg2: memref<10000xf32, #tpu.memory_space<hbm>>, %arg3: memref<2x320000xi32, #tpu.memory_space<hbm>>, %arg4: memref<32x10000xi32, #tpu.memory_space<hbm>>, %arg5: memref<64x10000xf32, #tpu.memory_space<hbm>>, %arg6: memref<10000xf32, #tpu.memory_space<vmem>>, %arg7: memref<2x10112xi32, #tpu.memory_space<vmem>>, %arg8: memref<10000xi32, #tpu.memory_space<vmem>>, %arg9: memref<10000xf32, #tpu.memory_space<vmem>>, %arg10: memref<10000xf32, #tpu.memory_space<vmem>>, %arg11: memref<!tpu.dma_semaphore, #tpu.memory_space<semaphore_mem>>) attributes {dimension_semantics = [#tpu.dimension_semantics<core_parallel>, #tpu.dimension_semantics<subcore_parallel>], iteration_bounds = array<i64: 2, 16>, scalar_prefetch = 0 : i64, scratch_operands = 6 : i64, tpu.core_type = #tpu.core_type<sc_vector_subcore>, window_params = [{transform_indices = #map}, {transform_indices = #map1}, {transform_indices = #map1}, {transform_indices = #map1}]} {
    %mul3A = arith.constant 2 : i32
    %mul3A_0 = arith.muli %arg1, %mul3A : i32
    %add3A = arith.addi %mul3A_0, %arg0 : i32
    %mul3A_1 = arith.constant 78 : i32
    %mul3A_2 = arith.muli %mul3A_1, %add3A : i32
    %sub3A = arith.constant 28 : i32
    %sub3A_3 = arith.subi %add3A, %sub3A : i32
    %max3A = arith.constant 0 : i32
    %max3A_4 = arith.maxsi %sub3A_3, %max3A : i32
    %add3A_5 = arith.addi %mul3A_2, %max3A_4 : i32
    %ge3A = arith.constant 28 : i32
    %ge3A_6 = arith.cmpi sge, %add3A, %ge3A : i32
    %jit3A = arith.constant 1 : i32
    %jit3A_7 = arith.constant 0 : i32
    %select_n3A = arith.select %ge3A_6, %jit3A, %jit3A_7 : i32
    %add3A_8 = arith.constant 78 : i32
    %add3A_9 = arith.addi %add3A_8, %select_n3A : i32
    %mul3A_10 = arith.constant 8 : i32
    %mul3A_11 = arith.muli %add3A_9, %mul3A_10 : i32
    tpu.enqueue_dma source(%arg2 : memref<10000xf32, #tpu.memory_space<hbm>>) target(%arg6 : memref<10000xf32, #tpu.memory_space<vmem>>) target_semaphore(%arg11 : memref<!tpu.dma_semaphore, #tpu.memory_space<semaphore_mem>>)
    %mul3A_12 = arith.constant 128 : i32
    %mul3A_13 = arith.muli %add3A_5, %mul3A_12 : i32
    %dma_start3A = arith.constant 0 : i32
    %dma_start3A_14 = arith.constant 0 : i32
    %dma_start3A_15 = tpu.memref_slice %arg7[%dma_start3A, %dma_start3A_14] : memref<2x10112xi32, #tpu.memory_space<vmem>> -> memref<2x4992xi32, #tpu.memory_space<vmem>>
    %dma_start3A_16 = arith.constant 0 : i32
    %dma_start3A_17 = tpu.memref_slice %arg3[%dma_start3A_16, %mul3A_13] : memref<2x320000xi32, #tpu.memory_space<hbm>> -> memref<2x4992xi32, #tpu.memory_space<hbm>>
    %dma_start3A_18 = arith.constant 0 : i32
    %dma_start3A_19 = arith.constant 0 : i32
    %dma_start3A_20 = tpu.memref_slice %arg7[%dma_start3A_18, %dma_start3A_19] : memref<2x10112xi32, #tpu.memory_space<vmem>> -> memref<2x4992xi32, #tpu.memory_space<vmem>>
    %dma_start3A_21 = arith.constant 0 : i32
    %dma_start3A_22 = tpu.memref_slice %arg3[%dma_start3A_21, %mul3A_13] : memref<2x320000xi32, #tpu.memory_space<hbm>> -> memref<2x4992xi32, #tpu.memory_space<hbm>>
    tpu.enqueue_dma source(%dma_start3A_22 : memref<2x4992xi32, #tpu.memory_space<hbm>>) target(%dma_start3A_20 : memref<2x4992xi32, #tpu.memory_space<vmem>>) target_semaphore(%arg11 : memref<!tpu.dma_semaphore, #tpu.memory_space<semaphore_mem>>)
    %mul3A_23 = arith.constant 128 : i32
    %mul3A_24 = arith.muli %add3A_5, %mul3A_23 : i32
    %add3A_25 = arith.constant 4992 : i32
    %add3A_26 = arith.addi %mul3A_24, %add3A_25 : i32
    %dma_start3A_27 = arith.constant 0 : i32
    %dma_start3A_28 = arith.constant 4992 : i32
    %dma_start3A_29 = tpu.memref_slice %arg7[%dma_start3A_27, %dma_start3A_28] : memref<2x10112xi32, #tpu.memory_space<vmem>> -> memref<2x5120xi32, #tpu.memory_space<vmem>>
    %dma_start3A_30 = arith.constant 0 : i32
    %dma_start3A_31 = tpu.memref_slice %arg3[%dma_start3A_30, %add3A_26] : memref<2x320000xi32, #tpu.memory_space<hbm>> -> memref<2x5120xi32, #tpu.memory_space<hbm>>
    %dma_start3A_32 = arith.constant 0 : i32
    %dma_start3A_33 = arith.constant 4992 : i32
    %dma_start3A_34 = tpu.memref_slice %arg7[%dma_start3A_32, %dma_start3A_33] : memref<2x10112xi32, #tpu.memory_space<vmem>> -> memref<2x5120xi32, #tpu.memory_space<vmem>>
    %dma_start3A_35 = arith.constant 0 : i32
    %dma_start3A_36 = tpu.memref_slice %arg3[%dma_start3A_35, %add3A_26] : memref<2x320000xi32, #tpu.memory_space<hbm>> -> memref<2x5120xi32, #tpu.memory_space<hbm>>
    tpu.enqueue_dma source(%dma_start3A_36 : memref<2x5120xi32, #tpu.memory_space<hbm>>) target(%dma_start3A_34 : memref<2x5120xi32, #tpu.memory_space<vmem>>) target_semaphore(%arg11 : memref<!tpu.dma_semaphore, #tpu.memory_space<semaphore_mem>>)
    %broadcast_in_dim3A = arith.constant 0.000000e+00 : f32
    %broadcast_in_dim3A_37 = vector.broadcast %broadcast_in_dim3A : f32 to vector<16xf32>
    %broadcast_in_dim3A_38 = arith.constant 0 : i32
    %broadcast_in_dim3A_39 = vector.broadcast %broadcast_in_dim3A_38 : i32 to vector<16xi32>
    %parallel_loop3A = arith.constant 0 : i32
    %parallel_loop3A_40 = arith.constant 625 : i32
    %parallel_loop3A_41 = arith.constant 1 : i32
    scf.for %parallel_loop3A_110 = %parallel_loop3A to %parallel_loop3A_40 step %parallel_loop3A_41  : i32 {
      %parallel_loop3A_111 = arith.constant 16 : i32
      %parallel_loop3A_112 = arith.muli %parallel_loop3A_110, %parallel_loop3A_111 : i32
      %parallel_loop3A_113 = arith.index_cast %parallel_loop3A_112 : i32 to index
      %parallel_loop3A_114 = tpu.vector_load %arg8[%parallel_loop3A_113] {strides = array<i32>} : memref<10000xi32, #tpu.memory_space<vmem>>, vector<16xi32>,
      tpu.vector_store %arg8[%parallel_loop3A_113], %broadcast_in_dim3A_39 {strides = array<i32>} : memref<10000xi32, #tpu.memory_space<vmem>>, vector<16xi32>,
      %parallel_loop3A_115 = arith.index_cast %parallel_loop3A_112 : i32 to index
      %parallel_loop3A_116 = tpu.vector_load %arg9[%parallel_loop3A_115] {strides = array<i32>} : memref<10000xf32, #tpu.memory_space<vmem>>, vector<16xf32>,
      tpu.vector_store %arg9[%parallel_loop3A_115], %broadcast_in_dim3A_37 {strides = array<i32>} : memref<10000xf32, #tpu.memory_space<vmem>>, vector<16xf32>,
      %parallel_loop3A_117 = arith.index_cast %parallel_loop3A_112 : i32 to index
      %parallel_loop3A_118 = tpu.vector_load %arg10[%parallel_loop3A_117] {strides = array<i32>} : memref<10000xf32, #tpu.memory_space<vmem>>, vector<16xf32>,
      tpu.vector_store %arg10[%parallel_loop3A_117], %broadcast_in_dim3A_37 {strides = array<i32>} : memref<10000xf32, #tpu.memory_space<vmem>>, vector<16xf32>,
    } {sc.loop_unroll_factor = 8 : i64, sc.parallel_access}
    %broadcast_in_dim3A_42 = arith.constant 1.000000e+00 : f32
    %broadcast_in_dim3A_43 = vector.broadcast %broadcast_in_dim3A_42 : f32 to vector<16xf32>
    %broadcast_in_dim3A_44 = arith.constant 16385 : i32
    %broadcast_in_dim3A_45 = vector.broadcast %broadcast_in_dim3A_44 : i32 to vector<16xi32>
    %broadcast_in_dim3A_46 = arith.constant 1 : i32
    %broadcast_in_dim3A_47 = vector.broadcast %broadcast_in_dim3A_46 : i32 to vector<16xi32>
    tpu.wait_dma2 semaphore(%arg11 : memref<!tpu.dma_semaphore, #tpu.memory_space<semaphore_mem>>) src(%arg2 : memref<10000xf32, #tpu.memory_space<hbm>>) dst(%arg6 : memref<10000xf32, #tpu.memory_space<vmem>>)
    %dma_wait3A = arith.constant 0 : i32
    %dma_wait3A_48 = arith.constant 0 : i32
    %dma_wait3A_49 = tpu.memref_slice %arg7[%dma_wait3A, %dma_wait3A_48] : memref<2x10112xi32, #tpu.memory_space<vmem>> -> memref<2x4992xi32, #tpu.memory_space<vmem>>
    %dma_wait3A_50 = arith.constant 0 : i32
    %dma_wait3A_51 = tpu.memref_slice %arg3[%dma_wait3A_50, %mul3A_13] : memref<2x320000xi32, #tpu.memory_space<hbm>> -> memref<2x4992xi32, #tpu.memory_space<hbm>>
    %dma_wait3A_52 = arith.constant 0 : i32
    %dma_wait3A_53 = arith.constant 0 : i32
    %dma_wait3A_54 = tpu.memref_slice %arg7[%dma_wait3A_52, %dma_wait3A_53] : memref<2x10112xi32, #tpu.memory_space<vmem>> -> memref<2x4992xi32, #tpu.memory_space<vmem>>
    %dma_wait3A_55 = arith.constant 0 : i32
    %dma_wait3A_56 = tpu.memref_slice %arg3[%dma_wait3A_55, %mul3A_13] : memref<2x320000xi32, #tpu.memory_space<hbm>> -> memref<2x4992xi32, #tpu.memory_space<hbm>>
    tpu.wait_dma2 semaphore(%arg11 : memref<!tpu.dma_semaphore, #tpu.memory_space<semaphore_mem>>) src(%dma_wait3A_56 : memref<2x4992xi32, #tpu.memory_space<hbm>>) dst(%dma_wait3A_54 : memref<2x4992xi32, #tpu.memory_space<vmem>>)
    %parallel_loop3A_57 = arith.constant 0 : i32
    %parallel_loop3A_58 = arith.constant 312 : i32
    %parallel_loop3A_59 = arith.constant 1 : i32
    scf.for %parallel_loop3A_110 = %parallel_loop3A_57 to %parallel_loop3A_58 step %parallel_loop3A_59  : i32 {
      %parallel_loop3A_111 = arith.constant 16 : i32
      %parallel_loop3A_112 = arith.muli %parallel_loop3A_110, %parallel_loop3A_111 : i32
      %parallel_loop3A_113 = arith.constant 0 : i32
      %parallel_loop3A_114 = arith.index_cast %parallel_loop3A_113 : i32 to index
      %parallel_loop3A_115 = arith.index_cast %parallel_loop3A_112 : i32 to index
      %parallel_loop3A_116 = tpu.vector_load %arg7[%parallel_loop3A_114, %parallel_loop3A_115] {strides = array<i32>} : memref<2x10112xi32, #tpu.memory_space<vmem>>, vector<16xi32>,
      %parallel_loop3A_117 = arith.constant 1 : i32
      %parallel_loop3A_118 = arith.index_cast %parallel_loop3A_117 : i32 to index
      %parallel_loop3A_119 = arith.index_cast %parallel_loop3A_112 : i32 to index
      %parallel_loop3A_120 = tpu.vector_load %arg7[%parallel_loop3A_118, %parallel_loop3A_119] {strides = array<i32>} : memref<2x10112xi32, #tpu.memory_space<vmem>>, vector<16xi32>,
      %parallel_loop3A_121 = tpu.vector_load_idx %arg6[%parallel_loop3A_116] : memref<10000xf32, #tpu.memory_space<vmem>>[vector<16xi32>], vector<16xf32>,
      %parallel_loop3A_122 = tpu.vector_load_idx %arg6[%parallel_loop3A_120] : memref<10000xf32, #tpu.memory_space<vmem>>[vector<16xi32>], vector<16xf32>,
      %parallel_loop3A_123 = arith.cmpf oge, %parallel_loop3A_122, %parallel_loop3A_121 : vector<16xf32>
      %parallel_loop3A_124 = arith.select %parallel_loop3A_123, %broadcast_in_dim3A_45, %broadcast_in_dim3A_47 : vector<16xi1>, vector<16xi32>
      tpu.vector_store_idx %arg8[%parallel_loop3A_120], %parallel_loop3A_124 {add = true} : memref<10000xi32, #tpu.memory_space<vmem>>[vector<16xi32>], vector<16xi32>,
      tpu.vector_store_idx %arg9[%parallel_loop3A_120], %parallel_loop3A_121 {add = true} : memref<10000xf32, #tpu.memory_space<vmem>>[vector<16xi32>], vector<16xf32>,
      %parallel_loop3A_125 = arith.cmpf oeq, %parallel_loop3A_122, %parallel_loop3A_121 : vector<16xf32>
      tpu.vector_store_idx %arg10[%parallel_loop3A_120], %broadcast_in_dim3A_43 masked %parallel_loop3A_125 {add = true} : memref<10000xf32, #tpu.memory_space<vmem>>[vector<16xi32>], vector<16xf32>, vector<16xi1>
    } {sc.loop_unroll_factor = 16 : i64, sc.parallel_access}
    %dma_wait3A_60 = arith.constant 0 : i32
    %dma_wait3A_61 = arith.constant 4992 : i32
    %dma_wait3A_62 = tpu.memref_slice %arg7[%dma_wait3A_60, %dma_wait3A_61] : memref<2x10112xi32, #tpu.memory_space<vmem>> -> memref<2x5120xi32, #tpu.memory_space<vmem>>
    %dma_wait3A_63 = arith.constant 0 : i32
    %dma_wait3A_64 = tpu.memref_slice %arg3[%dma_wait3A_63, %add3A_26] : memref<2x320000xi32, #tpu.memory_space<hbm>> -> memref<2x5120xi32, #tpu.memory_space<hbm>>
    %dma_wait3A_65 = arith.constant 0 : i32
    %dma_wait3A_66 = arith.constant 4992 : i32
    %dma_wait3A_67 = tpu.memref_slice %arg7[%dma_wait3A_65, %dma_wait3A_66] : memref<2x10112xi32, #tpu.memory_space<vmem>> -> memref<2x5120xi32, #tpu.memory_space<vmem>>
    %dma_wait3A_68 = arith.constant 0 : i32
    %dma_wait3A_69 = tpu.memref_slice %arg3[%dma_wait3A_68, %add3A_26] : memref<2x320000xi32, #tpu.memory_space<hbm>> -> memref<2x5120xi32, #tpu.memory_space<hbm>>
    tpu.wait_dma2 semaphore(%arg11 : memref<!tpu.dma_semaphore, #tpu.memory_space<semaphore_mem>>) src(%dma_wait3A_69 : memref<2x5120xi32, #tpu.memory_space<hbm>>) dst(%dma_wait3A_67 : memref<2x5120xi32, #tpu.memory_space<vmem>>)
    %parallel_loop3A_70 = arith.constant 312 : i32
    %parallel_loop3A_71 = arith.constant 1 : i32
    scf.for %parallel_loop3A_110 = %parallel_loop3A_70 to %mul3A_11 step %parallel_loop3A_71  : i32 {
      %parallel_loop3A_111 = arith.constant 16 : i32
      %parallel_loop3A_112 = arith.muli %parallel_loop3A_110, %parallel_loop3A_111 : i32
      %parallel_loop3A_113 = arith.constant 0 : i32
      %parallel_loop3A_114 = arith.index_cast %parallel_loop3A_113 : i32 to index
      %parallel_loop3A_115 = arith.index_cast %parallel_loop3A_112 : i32 to index
      %parallel_loop3A_116 = tpu.vector_load %arg7[%parallel_loop3A_114, %parallel_loop3A_115] {strides = array<i32>} : memref<2x10112xi32, #tpu.memory_space<vmem>>, vector<16xi32>,
      %parallel_loop3A_117 = arith.constant 1 : i32
      %parallel_loop3A_118 = arith.index_cast %parallel_loop3A_117 : i32 to index
      %parallel_loop3A_119 = arith.index_cast %parallel_loop3A_112 : i32 to index
      %parallel_loop3A_120 = tpu.vector_load %arg7[%parallel_loop3A_118, %parallel_loop3A_119] {strides = array<i32>} : memref<2x10112xi32, #tpu.memory_space<vmem>>, vector<16xi32>,
      %parallel_loop3A_121 = tpu.vector_load_idx %arg6[%parallel_loop3A_116] : memref<10000xf32, #tpu.memory_space<vmem>>[vector<16xi32>], vector<16xf32>,
      %parallel_loop3A_122 = tpu.vector_load_idx %arg6[%parallel_loop3A_120] : memref<10000xf32, #tpu.memory_space<vmem>>[vector<16xi32>], vector<16xf32>,
      %parallel_loop3A_123 = arith.cmpf oge, %parallel_loop3A_122, %parallel_loop3A_121 : vector<16xf32>
      %parallel_loop3A_124 = arith.select %parallel_loop3A_123, %broadcast_in_dim3A_45, %broadcast_in_dim3A_47 : vector<16xi1>, vector<16xi32>
      tpu.vector_store_idx %arg8[%parallel_loop3A_120], %parallel_loop3A_124 {add = true} : memref<10000xi32, #tpu.memory_space<vmem>>[vector<16xi32>], vector<16xi32>,
      tpu.vector_store_idx %arg9[%parallel_loop3A_120], %parallel_loop3A_121 {add = true} : memref<10000xf32, #tpu.memory_space<vmem>>[vector<16xi32>], vector<16xf32>,
      %parallel_loop3A_125 = arith.cmpf oeq, %parallel_loop3A_122, %parallel_loop3A_121 : vector<16xf32>
      tpu.vector_store_idx %arg10[%parallel_loop3A_120], %broadcast_in_dim3A_43 masked %parallel_loop3A_125 {add = true} : memref<10000xf32, #tpu.memory_space<vmem>>[vector<16xi32>], vector<16xf32>, vector<16xi1>
    } {sc.loop_unroll_factor = 16 : i64, sc.parallel_access}
    %dma_start3A_72 = arith.constant 0 : i32
    %dma_start3A_73 = tpu.memref_slice %arg4[%add3A, %dma_start3A_72] : memref<32x10000xi32, #tpu.memory_space<hbm>> -> memref<1x10000xi32, #tpu.memory_space<hbm>>
    %dma_start3A_74 = tpu.memref_squeeze %dma_start3A_73 : memref<1x10000xi32, #tpu.memory_space<hbm>> -> memref<10000xi32, #tpu.memory_space<hbm>>
    %dma_start3A_75 = arith.constant 0 : i32
    %dma_start3A_76 = tpu.memref_slice %arg4[%add3A, %dma_start3A_75] : memref<32x10000xi32, #tpu.memory_space<hbm>> -> memref<1x10000xi32, #tpu.memory_space<hbm>>
    %dma_start3A_77 = tpu.memref_squeeze %dma_start3A_76 : memref<1x10000xi32, #tpu.memory_space<hbm>> -> memref<10000xi32, #tpu.memory_space<hbm>>
    tpu.enqueue_dma source(%arg8 : memref<10000xi32, #tpu.memory_space<vmem>>) target(%dma_start3A_77 : memref<10000xi32, #tpu.memory_space<hbm>>) target_semaphore(%arg11 : memref<!tpu.dma_semaphore, #tpu.memory_space<semaphore_mem>>)
    %dma_start3A_78 = arith.constant 0 : i32
    %dma_start3A_79 = tpu.memref_slice %arg5[%add3A, %dma_start3A_78] : memref<64x10000xf32, #tpu.memory_space<hbm>> -> memref<1x10000xf32, #tpu.memory_space<hbm>>
    %dma_start3A_80 = tpu.memref_squeeze %dma_start3A_79 : memref<1x10000xf32, #tpu.memory_space<hbm>> -> memref<10000xf32, #tpu.memory_space<hbm>>
    %dma_start3A_81 = arith.constant 0 : i32
    %dma_start3A_82 = tpu.memref_slice %arg5[%add3A, %dma_start3A_81] : memref<64x10000xf32, #tpu.memory_space<hbm>> -> memref<1x10000xf32, #tpu.memory_space<hbm>>
    %dma_start3A_83 = tpu.memref_squeeze %dma_start3A_82 : memref<1x10000xf32, #tpu.memory_space<hbm>> -> memref<10000xf32, #tpu.memory_space<hbm>>
    tpu.enqueue_dma source(%arg9 : memref<10000xf32, #tpu.memory_space<vmem>>) target(%dma_start3A_83 : memref<10000xf32, #tpu.memory_space<hbm>>) target_semaphore(%arg11 : memref<!tpu.dma_semaphore, #tpu.memory_space<semaphore_mem>>)
    %add3A_84 = arith.constant 32 : i32
    %add3A_85 = arith.addi %add3A_84, %add3A : i32
    %dma_start3A_86 = arith.constant 0 : i32
    %dma_start3A_87 = tpu.memref_slice %arg5[%add3A_85, %dma_start3A_86] : memref<64x10000xf32, #tpu.memory_space<hbm>> -> memref<1x10000xf32, #tpu.memory_space<hbm>>
    %dma_start3A_88 = tpu.memref_squeeze %dma_start3A_87 : memref<1x10000xf32, #tpu.memory_space<hbm>> -> memref<10000xf32, #tpu.memory_space<hbm>>
    %dma_start3A_89 = arith.constant 0 : i32
    %dma_start3A_90 = tpu.memref_slice %arg5[%add3A_85, %dma_start3A_89] : memref<64x10000xf32, #tpu.memory_space<hbm>> -> memref<1x10000xf32, #tpu.memory_space<hbm>>
    %dma_start3A_91 = tpu.memref_squeeze %dma_start3A_90 : memref<1x10000xf32, #tpu.memory_space<hbm>> -> memref<10000xf32, #tpu.memory_space<hbm>>
    tpu.enqueue_dma source(%arg10 : memref<10000xf32, #tpu.memory_space<vmem>>) target(%dma_start3A_91 : memref<10000xf32, #tpu.memory_space<hbm>>) target_semaphore(%arg11 : memref<!tpu.dma_semaphore, #tpu.memory_space<semaphore_mem>>)
    %dma_wait3A_92 = arith.constant 0 : i32
    %dma_wait3A_93 = tpu.memref_slice %arg4[%add3A, %dma_wait3A_92] : memref<32x10000xi32, #tpu.memory_space<hbm>> -> memref<1x10000xi32, #tpu.memory_space<hbm>>
    %dma_wait3A_94 = tpu.memref_squeeze %dma_wait3A_93 : memref<1x10000xi32, #tpu.memory_space<hbm>> -> memref<10000xi32, #tpu.memory_space<hbm>>
    %dma_wait3A_95 = arith.constant 0 : i32
    %dma_wait3A_96 = tpu.memref_slice %arg4[%add3A, %dma_wait3A_95] : memref<32x10000xi32, #tpu.memory_space<hbm>> -> memref<1x10000xi32, #tpu.memory_space<hbm>>
    %dma_wait3A_97 = tpu.memref_squeeze %dma_wait3A_96 : memref<1x10000xi32, #tpu.memory_space<hbm>> -> memref<10000xi32, #tpu.memory_space<hbm>>
    tpu.wait_dma2 semaphore(%arg11 : memref<!tpu.dma_semaphore, #tpu.memory_space<semaphore_mem>>) src(%arg8 : memref<10000xi32, #tpu.memory_space<vmem>>) dst(%dma_wait3A_97 : memref<10000xi32, #tpu.memory_space<hbm>>)
    %dma_wait3A_98 = arith.constant 0 : i32
    %dma_wait3A_99 = tpu.memref_slice %arg5[%add3A, %dma_wait3A_98] : memref<64x10000xf32, #tpu.memory_space<hbm>> -> memref<1x10000xf32, #tpu.memory_space<hbm>>
    %dma_wait3A_100 = tpu.memref_squeeze %dma_wait3A_99 : memref<1x10000xf32, #tpu.memory_space<hbm>> -> memref<10000xf32, #tpu.memory_space<hbm>>
    %dma_wait3A_101 = arith.constant 0 : i32
    %dma_wait3A_102 = tpu.memref_slice %arg5[%add3A, %dma_wait3A_101] : memref<64x10000xf32, #tpu.memory_space<hbm>> -> memref<1x10000xf32, #tpu.memory_space<hbm>>
    %dma_wait3A_103 = tpu.memref_squeeze %dma_wait3A_102 : memref<1x10000xf32, #tpu.memory_space<hbm>> -> memref<10000xf32, #tpu.memory_space<hbm>>
    tpu.wait_dma2 semaphore(%arg11 : memref<!tpu.dma_semaphore, #tpu.memory_space<semaphore_mem>>) src(%arg9 : memref<10000xf32, #tpu.memory_space<vmem>>) dst(%dma_wait3A_103 : memref<10000xf32, #tpu.memory_space<hbm>>)
    %dma_wait3A_104 = arith.constant 0 : i32
    %dma_wait3A_105 = tpu.memref_slice %arg5[%add3A_85, %dma_wait3A_104] : memref<64x10000xf32, #tpu.memory_space<hbm>> -> memref<1x10000xf32, #tpu.memory_space<hbm>>
    %dma_wait3A_106 = tpu.memref_squeeze %dma_wait3A_105 : memref<1x10000xf32, #tpu.memory_space<hbm>> -> memref<10000xf32, #tpu.memory_space<hbm>>
    %dma_wait3A_107 = arith.constant 0 : i32
    %dma_wait3A_108 = tpu.memref_slice %arg5[%add3A_85, %dma_wait3A_107] : memref<64x10000xf32, #tpu.memory_space<hbm>> -> memref<1x10000xf32, #tpu.memory_space<hbm>>
    %dma_wait3A_109 = tpu.memref_squeeze %dma_wait3A_108 : memref<1x10000xf32, #tpu.memory_space<hbm>> -> memref<10000xf32, #tpu.memory_space<hbm>>
    tpu.wait_dma2 semaphore(%arg11 : memref<!tpu.dma_semaphore, #tpu.memory_space<semaphore_mem>>) src(%arg10 : memref<10000xf32, #tpu.memory_space<vmem>>) dst(%dma_wait3A_109 : memref<10000xf32, #tpu.memory_space<hbm>>)
    return
  }
}

module attributes {stable_mosaic.version = 14 : i64} {
  func.func @_epilogue_body(%arg0: memref<32x10000xi32, #tpu.memory_space<vmem>>, %arg1: memref<64x10000xf32, #tpu.memory_space<vmem>>, %arg2: memref<10000xf32, #tpu.memory_space<vmem>>, %arg3: memref<10000xf32, #tpu.memory_space<vmem>>, %arg4: memref<10000xi32, #tpu.memory_space<vmem>>, %arg5: memref<10000xi32, #tpu.memory_space<vmem>>) attributes {dimension_semantics = [], scalar_prefetch = 0 : i64, scratch_operands = 0 : i64, tpu.core_type = #tpu.core_type<tc>} {
    %get3A = arith.constant 0 : index
    %get3A_0 = arith.constant 0 : index
    %get3A_1 = vector.load %arg0[%get3A, %get3A_0] : memref<32x10000xi32, #tpu.memory_space<vmem>>, vector<32x10000xi32>
    %and3A = arith.constant 16383 : i32
    %and3A_2 = vector.broadcast %and3A : i32 to vector<32x10000xi32>
    %and3A_3 = arith.andi %get3A_1, %and3A_2 : vector<32x10000xi32>
    %reduce_sum3A = arith.constant dense<0> : vector<10000xi32>
    %reduce_sum3A_4 = vector.multi_reduction <add>, %and3A_3, %reduce_sum3A [0] : vector<32x10000xi32> to vector<10000xi32>
    %broadcast_in_dim3A = vector.shape_cast %reduce_sum3A_4 : vector<10000xi32> to vector<1x10000xi32>
    %shift_right_arithmetic3A = arith.constant 14 : i32
    %shift_right_arithmetic3A_5 = vector.broadcast %shift_right_arithmetic3A : i32 to vector<32x10000xi32>
    %shift_right_arithmetic3A_6 = arith.shrsi %get3A_1, %shift_right_arithmetic3A_5 : vector<32x10000xi32>
    %reduce_sum3A_7 = arith.constant dense<0> : vector<10000xi32>
    %reduce_sum3A_8 = vector.multi_reduction <add>, %shift_right_arithmetic3A_6, %reduce_sum3A_7 [0] : vector<32x10000xi32> to vector<10000xi32>
    %broadcast_in_dim3A_9 = vector.shape_cast %reduce_sum3A_8 : vector<10000xi32> to vector<1x10000xi32>
    %squeeze3A = vector.shape_cast %broadcast_in_dim3A : vector<1x10000xi32> to vector<10000xi32>
    %convert_element_type3A = arith.sitofp %squeeze3A : vector<10000xi32> to vector<10000xf32>
    %squeeze3A_10 = vector.shape_cast %broadcast_in_dim3A_9 : vector<1x10000xi32> to vector<10000xi32>
    %convert_element_type3A_11 = arith.sitofp %squeeze3A_10 : vector<10000xi32> to vector<10000xf32>
    %get3A_12 = arith.constant 0 : index
    %get3A_13 = arith.constant 0 : index
    %get3A_14 = vector.load %arg1[%get3A_12, %get3A_13] : memref<64x10000xf32, #tpu.memory_space<vmem>>, vector<32x10000xf32>
    %reduce_sum3A_15 = arith.constant dense<0.000000e+00> : vector<10000xf32>
    %reduce_sum3A_16 = vector.multi_reduction <add>, %get3A_14, %reduce_sum3A_15 [0] : vector<32x10000xf32> to vector<10000xf32>
    %broadcast_in_dim3A_17 = vector.shape_cast %reduce_sum3A_16 : vector<10000xf32> to vector<1x10000xf32>
    %squeeze3A_18 = vector.shape_cast %broadcast_in_dim3A_17 : vector<1x10000xf32> to vector<10000xf32>
    %get3A_19 = arith.constant 32 : index
    %get3A_20 = arith.constant 0 : index
    %get3A_21 = vector.load %arg1[%get3A_19, %get3A_20] : memref<64x10000xf32, #tpu.memory_space<vmem>>, vector<32x10000xf32>
    %reduce_sum3A_22 = arith.constant dense<0.000000e+00> : vector<10000xf32>
    %reduce_sum3A_23 = vector.multi_reduction <add>, %get3A_21, %reduce_sum3A_22 [0] : vector<32x10000xf32> to vector<10000xf32>
    %broadcast_in_dim3A_24 = vector.shape_cast %reduce_sum3A_23 : vector<10000xf32> to vector<1x10000xf32>
    %squeeze3A_25 = vector.shape_cast %broadcast_in_dim3A_24 : vector<1x10000xf32> to vector<10000xf32>
    %sub3A = arith.subf %convert_element_type3A, %convert_element_type3A_11 : vector<10000xf32>
    %add3A = arith.addf %sub3A, %squeeze3A_25 : vector<10000xf32>
    %get3A_26 = arith.constant 0 : index
    %get3A_27 = vector.load %arg2[%get3A_26] : memref<10000xf32, #tpu.memory_space<vmem>>, vector<10000xf32>
    %add3A_28 = arith.addf %squeeze3A_18, %get3A_27 : vector<10000xf32>
    %add3A_29 = arith.constant 1.000000e+00 : f32
    %add3A_30 = vector.broadcast %add3A_29 : f32 to vector<10000xf32>
    %add3A_31 = arith.addf %convert_element_type3A, %add3A_30 : vector<10000xf32>
    %div3A = arith.divf %add3A_28, %add3A_31 : vector<10000xf32>
    %swap3A = arith.constant 0 : index
    %swap3A_32 = vector.load %arg3[%swap3A] : memref<10000xf32, #tpu.memory_space<vmem>>, vector<10000xf32>
    tpu.vector_store %arg3[%swap3A], %div3A {strides = array<i32>} : memref<10000xf32, #tpu.memory_space<vmem>>, vector<10000xf32>,
    %eq3A = arith.cmpf oeq, %convert_element_type3A_11, %convert_element_type3A : vector<10000xf32>
    %swap3A_33 = arith.constant 0 : index
    %swap3A_34 = vector.load %arg4[%swap3A_33] : memref<10000xi32, #tpu.memory_space<vmem>>, vector<10000xi32>
    %swap3A_35 = arith.extui %eq3A : vector<10000xi1> to vector<10000xi32>
    %swap3A_36 = arith.constant dense<0> : vector<10000xi32>
    %swap3A_37 = arith.cmpi ne, %swap3A_34, %swap3A_36 : vector<10000xi32>
    tpu.vector_store %arg4[%swap3A_33], %swap3A_35 {strides = array<i32>} : memref<10000xi32, #tpu.memory_space<vmem>>, vector<10000xi32>,
    %eq3A_38 = arith.cmpf oeq, %add3A, %convert_element_type3A : vector<10000xf32>
    %swap3A_39 = arith.constant 0 : index
    %swap3A_40 = vector.load %arg5[%swap3A_39] : memref<10000xi32, #tpu.memory_space<vmem>>, vector<10000xi32>
    %swap3A_41 = arith.extui %eq3A_38 : vector<10000xi1> to vector<10000xi32>
    %swap3A_42 = arith.constant dense<0> : vector<10000xi32>
    %swap3A_43 = arith.cmpi ne, %swap3A_40, %swap3A_42 : vector<10000xi32>
    tpu.vector_store %arg5[%swap3A_39], %swap3A_41 {strides = array<i32>} : memref<10000xi32, #tpu.memory_space<vmem>>, vector<10000xi32>,
    return
  }
}

module attributes {stable_mosaic.version = 14 : i64} {
  func.func @_matvec_body(%arg0: memref<10000x128xf32, #tpu.memory_space<vmem>>, %arg1: memref<1x128xf32, #tpu.memory_space<vmem>>, %arg2: memref<1xf32, #tpu.memory_space<smem>>, %arg3: memref<10000xf32, #tpu.memory_space<vmem>>) attributes {dimension_semantics = [], scalar_prefetch = 0 : i64, scratch_operands = 0 : i64, tpu.core_type = #tpu.core_type<tc>} {
    %get3A = arith.constant 0 : index
    %get3A_0 = arith.constant 0 : index
    %get3A_1 = vector.load %arg1[%get3A, %get3A_0] : memref<1x128xf32, #tpu.memory_space<vmem>>, vector<1x128xf32>
    %get3A_2 = arith.constant 0 : index
    %get3A_3 = arith.constant 0 : index
    %get3A_4 = vector.load %arg0[%get3A_2, %get3A_3] : memref<10000x128xf32, #tpu.memory_space<vmem>>, vector<10000x128xf32>
    %dot_general3A = arith.constant dense<0.000000e+00> : vector<1x10000xf32>
    %dot_general3A_5 = tpu.matmul %get3A_1, %get3A_4, %dot_general3A {dimension_numbers = #tpu.dot_dimension_numbers<[1], [1], [0], [0], [0, 0, 1, 0], [], []>, transpose_lhs_hint = false} : vector<1x128xf32>, vector<10000x128xf32>, vector<1x10000xf32> -> vector<1x10000xf32>
    %get3A_6 = arith.constant 0 : index
    %get3A_7 = memref.load %arg2[%get3A_6] : memref<1xf32, #tpu.memory_space<smem>>
    %add3A = vector.broadcast %get3A_7 : f32 to vector<1x10000xf32>
    %add3A_8 = arith.addf %dot_general3A_5, %add3A : vector<1x10000xf32>
    %squeeze3A = vector.shape_cast %add3A_8 : vector<1x10000xf32> to vector<10000xf32>
    %swap3A = arith.constant 0 : index
    %swap3A_9 = vector.load %arg3[%swap3A] : memref<10000xf32, #tpu.memory_space<vmem>>, vector<10000xf32>
    tpu.vector_store %arg3[%swap3A], %squeeze3A {strides = array<i32>} : memref<10000xf32, #tpu.memory_space<vmem>>, vector<10000xf32>,
    return
  }
}

</mosaic_0001>

<sc_bundles>
// kernel: kernel.5.cloned.1.call-start
scs
__scs_entry_jumppad:
0x0: {  	(pc) =	sbr.rel $0x88, $3  }
0x1: {  	(tag) =	ssettag $0x0;
	lr =	simm.s32 $0x1  }
0x2: {  	[smem:$0x3F9D] =	sst lr;
	_ =	strace $0xD0000000  }
0x3: {  	_ = 	snop  }
0x4: {  	_ = 	snop  }
0x5: {  	_ = 	snop  }
0x6: {  	_ = 	snop  }
0x7: {  	_ = 	snop  }
__scs_overlays_trampoline_lowered:
0x8: {  	[smem:$0x3FAC] =	sst s0  }
0x9: {  	[smem:$0x3FAD] =	sst s1  }
0xa: {  	[smem:$0x3FAE] =	sst s2  }
0xb: {  	[smem:$0x3FAF] =	sst s3  }
0xc: {  	[smem:$0x3FB0] =	sst s4  }
0xd: {  	[smem:$0x3FB1] =	sst s5  }
0xe: {  	[smem:$0x3FB2] =	sst s6  }
0xf: {  	[smem:$0x3FB3] =	sst s7  }
0x10: {  	[smem:$0x3FB4] =	sst s8  }
0x11: {  	[smem:$0x3FB5] =	sst s9;
	s0 =	simm.s32 @!p0 $0x0  }
0x12: {  	s1 =	sld [smem:$0x3F9B];
	s0 =	simm.s32 @p0 $0x1  }
0x13: {  	[smem:$0x3FB6] =	sst s0;
	s0 =	simm.s32 @!p1 $0x0  }
0x14: {  	s2 =	sld [smem:$0x3F9A];
	s0 =	simm.s32 @p1 $0x1  }
0x15: {  	[smem:$0x3FB7] =	sst s0;
	s0 =	simm.s32 @!p2 $0x0  }
0x16: {  	s3 =	sld [smem:$0x3FDB];
	s0 =	simm.s32 @p2 $0x1  }
0x17: {  	s4 =	simm.s32 $0x1BF5;
	[smem:$0x3FB9] =	sst s0  }
0x18: {  	s0 =	sld [smem:$0x3F9C];
	_ =	swait.ge [sflag:s4], $0x0  }
0x19: {  	s7 =	sld [smem:$0x3F9D]  }
0x1a: {  	s8 =	sadd.s32 $0xFFFFE003, lr  }
0x1b: {  	s9 =	sadd.s32 $0xFFFFFEF7, lr;
	s5 =	simm.s32 $0xFFFFFFFF;
	p2 =	slt.u32 s8, $0xFFFFF086  }
0x1c: {  	p1 =	slt.u32 s9, $0xF7A;
	s5 =	simm.s32 @!p2 $0x0  }
0x1d: {  	s5 =	simm.s32 @p1 $0x1;
	p0 =	seq.s32 s7, s2  }
0x1e: {  	s7 =	smul.u32 @!p0 $0xF7A, s2;
	p2 =	seq.s32 @!p0 s5, $0x0  }
0x1f: {  	s9 =	smul.u32 $0xF7A, s1;
	s8 =	simm.s32 @!p0 $0x1BF5;
	p2 =	por !p2, p0  }
0x20: {  	[sflag:s8] =	ssyncset.s32 @!p0 $0xFFFFF086;
	s6 =	sadd.s32 @!p0 s3, s7;
	s7 =	simm.s32 @!p0 $0x108  }
0x21: {  	s3 =	sadd.s32 s3, s9;
	s6 =	sadd.s32 @!p0 $0x88, s6;
	s7 =	simm.s32 @p2 $0x1082  }
0x22: {  	[simem:s7], [sflag:s8] =	dma.local @!p0 [hbm:s6], $0xF7A  }
0x23: {  	s9 =	sor.u32 $0xD0000000, s2;
	s6 =	simm.s32 $0x108;
	_ =	swait.ge @!p0 [sflag:s8], $0x0  }
0x24: {  	s3 =	sadd.s32 $0x88, s3;
	s6 =	simm.s32 @!p1 $0x1082;
	[sflag:s4] =	ssyncset.s32 $0xFFFFF086  }
0x25: {  	[simem:s6], [sflag:s4] =	dma.local [hbm:s3], $0xF7A  }
0x26: {  	[smem:$0x3F9D] =	sst s1;
	(tag) =	ssettag s2;
	_ =	strace s9  }
0x27: {  	s1 =	sld [smem:$0x3FAD]  }
0x28: {  	s2 =	sld [smem:$0x3FAE]  }
0x29: {  	s4 =	sld [smem:$0x3FB0]  }
0x2a: {  	p0 =	seq.s32 s5, $0x0;
	s5 =	sld [smem:$0x3FB1]  }
0x2b: {  	s6 =	sld [smem:$0x3FB2]  }
0x2c: {  	s7 =	sld [smem:$0x3FB3]  }
0x2d: {  	s3 =	simm.s32 $0x108;
	s8 =	sld [smem:$0x3FB4]  }
0x2e: {  	s3 =	simm.s32 @!p0 $0x1082;
	s9 =	sld [smem:$0x3FB5]  }
0x2f: {  	lr =	sadd.s32 s0, s3;
	s0 =	sld [smem:$0x3FAC]  }
0x30: {  	s3 =	sld [smem:$0x3FAF]  }
0x31: {  	[smem:$0x3FB8] =	sst s10  }
0x32: {  	s10 =	sld [smem:$0x3FB6];
	_ =	sdelay $0x3  }
0x33: {  	p0 =	seq.s32 s10, $0x1;
	s10 =	sld [smem:$0x3FB8];
	_ =	sdelay $0x3  }
0x34: {  	[smem:$0x3FB8] =	sst s10  }
0x35: {  	s10 =	sld [smem:$0x3FB7];
	_ =	sdelay $0x3  }
0x36: {  	p1 =	seq.s32 s10, $0x1;
	s10 =	sld [smem:$0x3FB8];
	_ =	sdelay $0x3  }
0x37: {  	[smem:$0x3FB8] =	sst s10  }
0x38: {  	s10 =	sld [smem:$0x3FB9]  }
0x39: {  	_ = 	snop;
	(pc) =	sbr.ind lr, $3  }
0x3a: {  	_ = 	snop  }
0x3b: {  	_ = 	snop  }
0x3c: {  	p2 =	seq.s32 s10, $0x1;
	s10 =	sld [smem:$0x3FB8]  }
0x3d: {  	_ =	shalt  }
0x3e: {  	_ =	shalt  }
0x3f: {  	_ =	shalt  }
0x40: {  	_ =	shalt  }
0x41: {  	_ =	shalt  }
0x42: {  	_ =	shalt  }
0x43: {  	_ =	shalt  }
0x44: {  	_ =	shalt  }
0x45: {  	_ =	shalt  }
0x46: {  	_ =	shalt  }
0x47: {  	_ =	shalt  }
0x48: {  	_ =	shalt  }
0x49: {  	_ =	shalt  }
0x4a: {  	_ =	shalt  }
0x4b: {  	_ =	shalt  }
0x4c: {  	_ =	shalt  }
0x4d: {  	_ =	shalt  }
0x4e: {  	_ =	shalt  }
0x4f: {  	_ =	shalt  }
0x50: {  	_ =	shalt  }
0x51: {  	_ =	shalt  }
0x52: {  	_ =	shalt  }
0x53: {  	_ =	shalt  }
0x54: {  	_ =	shalt  }
0x55: {  	_ =	shalt  }
0x56: {  	_ =	shalt  }
0x57: {  	_ =	shalt  }
0x58: {  	_ =	shalt  }
0x59: {  	_ =	shalt  }
0x5a: {  	_ =	shalt  }
0x5b: {  	_ =	shalt  }
0x5c: {  	_ =	shalt  }
0x5d: {  	_ =	shalt  }
0x5e: {  	_ =	shalt  }
0x5f: {  	_ =	shalt  }
0x60: {  	_ =	shalt  }
0x61: {  	_ =	shalt  }
0x62: {  	_ =	shalt  }
0x63: {  	_ =	shalt  }
0x64: {  	_ =	shalt  }
0x65: {  	_ =	shalt  }
0x66: {  	_ =	shalt  }
0x67: {  	_ =	shalt  }
0x68: {  	_ =	shalt  }
0x69: {  	_ =	shalt  }
0x6a: {  	_ =	shalt  }
0x6b: {  	_ =	shalt  }
0x6c: {  	_ =	shalt  }
0x6d: {  	_ =	shalt  }
0x6e: {  	_ =	shalt  }
0x6f: {  	_ =	shalt  }
0x70: {  	_ =	shalt  }
0x71: {  	_ =	shalt  }
0x72: {  	_ =	shalt  }
0x73: {  	_ =	shalt  }
0x74: {  	_ =	shalt  }
0x75: {  	_ =	shalt  }
0x76: {  	_ =	shalt  }
0x77: {  	_ =	shalt  }
0x78: {  	_ =	shalt  }
0x79: {  	_ =	shalt  }
0x7a: {  	_ =	shalt  }
0x7b: {  	_ =	shalt  }
0x7c: {  	_ =	shalt  }
0x7d: {  	_ =	shalt  }
0x7e: {  	_ =	shalt  }
0x7f: {  	_ =	shalt  }
0x80: {  	_ =	shalt  }
0x81: {  	_ =	shalt  }
0x82: {  	_ =	shalt  }
0x83: {  	_ =	shalt  }
0x84: {  	_ =	shalt  }
0x85: {  	_ =	shalt  }
0x86: {  	_ =	shalt  }
0x87: {  	_ =	shalt  }
.Lfunc_end0:
.L_simem_size_0:
called_computation_lowered:
.L_overlay_start_0:
0x88: {  	s2 =	sld [smem:$0x3FD9]  }
0x89: {  	s3 =	sld [smem:$0x3FFE];
	_ =	sdelay $0x1  }
0x8a: {  	s1 =	srdreg.scid  }
0x8b: {  	s0 =	sand.u32 $0x1, s1  }
0x8c: {  	s14 =	sshll.u32 s0, $0xA;
	s2 =	sadd.s32 s3, s2  }
0x8d: {  	s2 =	sadd.s32 s2, s14  }
0x8e: {  	[smem:$0x3FC4] =	sst s2  }
0x8f: {  	_ = 	snop  }
0x90: {  	s2 =	sld [smem:$0x3FD0];
	_ =	sdelay $0x2  }
0x91: {  	s4 =	simm.s32 $0xA;
	s5 =	simm.s32 $0x10;
	s15 =	sld [smem:$0x3FC8]  }
0x92: {  	[smem:s5], [sflag:s4] =	dma.local [hbm:s2], $0x1  }
0x93: {  	_ =	swait.eq [sflag:s4], $0x1  }
0x94: {  	[sflag:s4] =	ssyncset.done $0x0  }
0x95: {  	[sflag:s4] =	ssyncadd.s32 $0xFFFFFFFF  }
0x96: {  	s16 =	sld [smem:$0x10];
	(tm) =	ssettm $0x1  }
0x97: {  	s17 =	sld [smem:$0x3FFB];
	_ =	sdelay $0x3  }
0x98: {  	_ =	strace s17  }
0x99: {  	s4 =	sld [smem:$0x3FFC];
	_ =	sdelay $0x3  }
0x9a: {  	_ =	strace s4  }
0x9b: {  	s4 =	sld [smem:$0x3FFD];
	_ =	sdelay $0x3  }
0x9c: {  	_ =	strace s4  }
0x9d: {  	_ =	strace $0x8FFFFFFF  }
0x9e: {  	s18 =	sld [smem:$0x3FDB];
	_ =	sdelay $0x1  }
0x9f: {  	s19 =	simm.s32 $_scs_section_size  }
0xa0: {  	s6 =	simm.s32 $_size__tile_overlayer_lowered;
	s7 =	simm.s32 $_tile_overlayer_lowered  }
0xa1: {  	s22 =	simm.s32 $0x1BFF;
	s21 =	sshll.u32 s7, $0x1;
	s4 =	sadd.s32 s19, s18  }
0xa2: {  	s8 =	simm.s32 $0x0;
	s20 =	sshll.u32 s6, $0x1;
	s6 =	sadd.s32 s21, s4  }
0xa3: {  	[timem:s8], [sflag:s22] =	dma.local [hbm:s6], s20  }
0xa4: {  	_ =	swait.ge [sflag:s22], s20  }
0xa5: {  	s5 =	ssub.s32 $0x0, s20;
	[sflag:s22] =	ssyncset.done $0x0  }
0xa6: {  	[sflag:s22] =	ssyncadd.s32 s5;
	_ =	sdelay $0x1  }
0xa7: {  	s23 =	simm.s32 $0x1B8B  }
0xa8: {  	_ =	swait.ge [sflag:s23], $0x1  }
0xa9: {  	[sflag:s23] =	ssyncset.done $0x0  }
0xaa: {  	s25 =	simm.s32 $0x1B8E;
	s24 =	sld [smem:$0x3FFE];
	[sflag:s23] =	ssyncadd.s32 $0xFFFFFFFF  }
0xab: {  	s26 =	simm.s32 $execute0_lowered;
	[smem:$0x3FD2] =	sst s25  }
0xac: {  	s6 =	sshll.u32 s26, $0x1;
	_ =	strace $0x80000046;
	[dreg:$0x1] =	wrdreg $0xFFFFFFFF  }
0xad: {  	s28 =	simm.s32 $_size_execute0_lowered;
	s4 =	sadd.s32 s4, s6;
	[dreg:$0x0] =	wrdreg $0x0  }
0xae: {  	s6 =	sshll.u32 s28, $0x1;
	[dreg:$0x2] =	wrdreg s4  }
0xaf: {  	[dreg:$0x3] =	wrdreg s6  }
0xb0: {  	[dreg:$0x4] =	wrdreg $0xC0  }
0xb1: {  	_ =	task [dreg:s8], $0x5FFFF  }
0xb2: {  	[dreg:$0x1] =	wrdreg $0xFFFFFFFF  }
0xb3: {  	[dreg:$0x0] =	wrdreg $0x60  }
0xb4: {  	[dreg:$0x2] =	wrdreg s16  }
0xb5: {  	[dreg:$0x3] =	wrdreg s15  }
0xb6: {  	[dreg:$0x4] =	wrdreg s24  }
0xb7: {  	[dreg:$0x5] =	wrdreg $0x9  }
0xb8: {  	_ =	task.clear_ibuf [dreg:s8], $0x6FFFF;
	_ =	strace $0x90000046  }
0xb9: {  	s29 =	simm.s32 $0x9;
	_ =	strace $0x80000048  }
0xba: {  	_ =	swait.ge [sflag:s29], $0x1  }
0xbb: {  	[sflag:s29] =	ssyncadd.s32 $0xFFFFFFFF  }
0xbc: {  	_ =	strace $0x90000048  }
0xbd: {  	_ =	sfence  }
0xbe: {  	s30 =	sld [smem:$0x0];
	_ =	sdelay $0x2  }
0xbf: {  	s31 =	sshll.u32 s1, $0xD;
	s1 =	sshrl.u32 s1, $0x2  }
0xc0: {  	s3 =	sand.u32 $0x4000, s31;
	s1 =	sadd.s32 s1, s30  }
0xc1: {  	s0 =	sor.u32 s3, s0;
	s1 =	sshll.u32 s1, $0x11  }
0xc2: {  	s0 =	sor.u32 s1, s0  }
0xc3: {  	s0 =	sadd.s32 $0x8F2B, s0  }
0xc4: {  	[sflag:s0] =	ssyncadd.remote.s32 $0x1  }
0xc5: {  	_ =	sfence.sel $0xFFFF  }
0xc6: {  	[dreg:$0x0] =	wrdreg $0xFFFFFFFF;
	(pc) =	sbr.abs _section_cstart, $3  }
0xc7: {  	[dreg:$0x1] =	wrdreg $0xFFFFFFFF  }
0xc8: {  	_ =	task.clear_ibuf [dreg:s8], $0x2FFFF;
	_ =	strace $0x9FFFFFFF  }
0xc9: {  	(tm) =	ssettm $0x7FFFFFFF  }
tec
execute0_lowered:
.L_overlay_start_1:
0x0: {  	(tag) =	ssettag $0x1  }
0x1: {  	s1 =	rddreg [dreg:$0x0]  }
0x2: {  	s2 =	srdreg.scid;
	s6 =	rddreg [dreg:$0x1]  }
0x3: {  	s0 =	stileid.u32;
	s7 =	rddreg [dreg:$0x2]  }
0x4: {  	s3 =	simm.s32 $0x0;
	s15 =	simm.s32 $0x4E80;
	s16 =	simm.s32 $0x1  }
0x5: {  	s17 =	simm.s32 $0x7680;
	s18 =	simm.s32 $0x9E00;
	s19 =	simm.s32 $0xC580  }
0x6: {  	s20 =	simm.s32 $0x80;
	s5 =	sand.u32 $0x1, s2;
	s2 =	rddreg [dreg:$0x3]  }
0x7: {  	s21 =	sshll.u32 s0, $0x1;
	s22 =	sshrl.u32 s0, $0x2;
	[smem:$0x7FF] =	sst s3  }
0x8: {  	s12 =	sadd.s32 $0x1800, s7;
	p0 =	sgt.u32 s0, $0xD;
	s4 =	sor.u32 s5, s21  }
0x9: {  	s8 =	smul.u32 $0x13C00, s22;
	_ =	strace $0x80000047;
	s5 =	ssub.s32 $0x2, s5  }
0xa: {  	s21 =	simm.s32 $0x400;
	s22 =	simm.s32 $0x0;
	s9 =	sshll.u32 s4, $0x7  }
0xb: {  	s10 =	smul.u32 $0x4E, s4;
	s23 =	smax.u32 s4, $0x1C;
	s4 =	simm.s32 $0x278  }
0xc: {  	s24 =	sshrl.u32 s5, $0x1;
	s9 =	sand.u32 $0x380, s9;
	s4 =	simm.s32 @!p0 $0x270  }
0xd: {  	s14 =	ssub.s32 s5, s24;
	s8 =	sor.u32 s8, s9;
	s13 =	sadd.s32 $0xC8, s4  }
0xe: {  	s9 =	sshrl.u32 s8, $0x3;
	s25 =	sand.u32 $0x170, s13;
	s26 =	sadd.s32 $0x4F000, s8  }
0xf: {  	s28 =	sshrl.u32 s13, $0x4;
	s11 =	sadd.s32 s9, s7;
	s7 =	sadd.s32 s10, s23  }
0x10: {  	s10 =	sshrl.u32 s26, $0x3;
	s9 =	sadd.s32 s12, s9;
	s29 =	sand.u32 $0x17, s28  }
.Ltmp0:
0x11: {  	s7 =	sshll.u32 s7, $0x5;
	s8 =	sadd.s32 $0x15400, s11;
	(pc) =	sbr.rel .LBB2_1-.Ltmp0, $4  }
0x12: {  	s10 =	sadd.s32 s12, s10;
	s11 =	smax.u32 s14, $0x1;
	s30 =	sshll.u32 s29, $0x9  }
0x13: {  	s31 =	sshll.u32 s29, $0x8;
	s14 =	simm.s32 $0x2780;
	s6 =	sadd.s32 s6, s7  }
0x14: {  	v0 =	vimm.s32 $0x0;
	s7 =	sadd.s32 $0x138, s25;
	s12 =	sadd.s32 $0x2700, s30;
	s13 =	sadd.s32 $0x1380, s31  }
0x15: {  	v1 =	vimm.f32 $0.0e+00;
	v2 =	vimm.s32 $0x1;
	v3 =	vimm.f32 $1.000000000e+00;
	s5 =	sadd.s32 $0xFFFFFC80, s6;
	s6 =	sadd.s32 $0x160, s6;
	p0 =	sge.u32 s7, s4  }
.LBB2_11:
0x16: {  	[hbm4b:s8+s20] =	stream.strided.scatter [tilespmem:s17], [sflag:$0x1], $0x2780, s21, s20, $0x38;
	[tilespmem:$0xED00] =	vst v63  }
0x17: {  	_ = 	snop  }
0x18: {  	[hbm4b:s9+s20] =	stream.strided.scatter [tilespmem:s18], [sflag:$0x1], $0x2780, s21, s20, $0x38;
	[tilespmem:$0xED00] =	vst v63  }
0x19: {  	_ = 	snop  }
0x1a: {  	[hbm4b:s10+s20] =	stream.strided.scatter [tilespmem:s19], [sflag:$0x1], $0x2780, s21, s20, $0x38;
	[tilespmem:$0xED00] =	vst v63  }
0x1b: {  	_ =	swait.ge [sflag:s16], $0x2780  }
0x1c: {  	[sflag:s16] =	ssyncset.done $0x0  }
0x1d: {  	s22 =	sadd.s32 $0x1, s22;
	[sflag:s16] =	ssyncadd.s32 $0xFFFFD880  }
0x1e: {  	p1 =	sne.s32 s22, s11;
	_ =	swait.ge [sflag:s16], $0x2780  }
.Ltmp1:
0x1f: {  	[sflag:s16] =	ssyncset.done $0x0;
	(pc) =	sbr.rel @!p1 .LBB2_12-.Ltmp1, $4  }
0x20: {  	[sflag:s16] =	ssyncadd.s32 $0xFFFFD880  }
0x21: {  	_ =	swait.ge [sflag:s16], $0x2780  }
0x22: {  	[sflag:s16] =	ssyncset.done $0x0  }
0x23: {  	[sflag:s16] =	ssyncadd.s32 $0xFFFFD880  }
.LBB2_1:
0x24: {  	[tilespmem:s3], [sflag:$0x1] =	stream.linear.gather [hbm4b:s1+s3], $0x2780, $0x38;
	[tilespmem:$0xED00] =	vst v63  }
0x25: {  	_ = 	snop  }
0x26: {  	[tilespmem:s14], [sflag:$0x1] =	stream.linear.gather [hbm4b:s5+s3], $0x2700, $0x38;
	[tilespmem:$0xED00] =	vst v63  }
0x27: {  	s23 =	simm.s32 $0x76C0  }
0x28: {  	[tilespmem:s15], [sflag:$0x1] =	stream.linear.gather [hbm4b:s6+s3], $0x2800, $0x38;
	[tilespmem:$0xED00] =	vst v63  }
0x29: {  	[tilespmem:s23+$0xFFFFFFD0] =	vst v0  }
0x2a: {  	[tilespmem:s23+$0x0] =	vst v0  }
0x2b: {  	[tilespmem:s23+$0xFFFFFFC0] =	vst v0  }
0x2c: {  	[tilespmem:s23+$0x30] =	vst v0  }
0x2d: {  	[tilespmem:s23+$0xFFFFFFF0] =	vst v0  }
0x2e: {  	[tilespmem:s23+$0xFFFFFFE0] =	vst v0  }
0x2f: {  	[tilespmem:s23+$0x10] =	vst v0  }
0x30: {  	s25 =	simm.s32 $0x9E40;
	[tilespmem:s23+$0x20] =	vst v0  }
0x31: {  	[tilespmem:s25+$0xFFFFFFC0] =	vst v1  }
0x32: {  	[tilespmem:s25+$0x30] =	vst v1  }
0x33: {  	[tilespmem:s25+$0x0] =	vst v1  }
0x34: {  	[tilespmem:s25+$0x20] =	vst v1  }
0x35: {  	[tilespmem:s25+$0x10] =	vst v1  }
0x36: {  	[tilespmem:s25+$0xFFFFFFD0] =	vst v1  }
0x37: {  	[tilespmem:s25+$0xFFFFFFE0] =	vst v1  }
0x38: {  	s24 =	simm.s32 $0xC5C0;
	[tilespmem:s25+$0xFFFFFFF0] =	vst v1  }
0x39: {  	[tilespmem:s24+$0xFFFFFFC0] =	vst v1  }
0x3a: {  	[tilespmem:s24+$0x30] =	vst v1  }
0x3b: {  	[tilespmem:s24+$0x20] =	vst v1  }
0x3c: {  	[tilespmem:s24+$0x10] =	vst v1  }
0x3d: {  	s26 =	simm.s32 $0x0;
	s28 =	simm.s32 $0xC640;
	[tilespmem:s24+$0xFFFFFFD0] =	vst v1  }
.LBB2_2:
0x3e: {  	s26 =	sadd.s32 $0x8, s26;
	[tilespmem:s24+$0xFFFFFFE0] =	vst v1;
	s23 =	sadd.s32 $0x80, s23;
	s25 =	sadd.s32 $0x80, s25  }
0x3f: {  	p1 =	slt.u32 s26, $0x268;
	[tilespmem:s24+$0x0] =	vst v1  }
0x40: {  	[tilespmem:s24+$0xFFFFFFF0] =	vst v1;
	s24 =	smov.u32 s28  }
0x41: {  	[tilespmem:s23+$0xFFFFFFD0] =	vst v0  }
0x42: {  	[tilespmem:s23+$0x0] =	vst v0  }
0x43: {  	[tilespmem:s23+$0xFFFFFFC0] =	vst v0  }
0x44: {  	[tilespmem:s25+$0xFFFFFFC0] =	vst v1  }
0x45: {  	[tilespmem:s28+$0xFFFFFFC0] =	vst v1  }
0x46: {  	[tilespmem:s23+$0x30] =	vst v0  }
0x47: {  	[tilespmem:s25+$0x30] =	vst v1  }
0x48: {  	[tilespmem:s28+$0x30] =	vst v1  }
0x49: {  	[tilespmem:s25+$0x0] =	vst v1  }
0x4a: {  	[tilespmem:s23+$0xFFFFFFF0] =	vst v0  }
0x4b: {  	[tilespmem:s23+$0xFFFFFFE0] =	vst v0  }
0x4c: {  	[tilespmem:s23+$0x10] =	vst v0  }
0x4d: {  	[tilespmem:s23+$0x20] =	vst v0  }
0x4e: {  	[tilespmem:s25+$0x20] =	vst v1  }
0x4f: {  	[tilespmem:s28+$0x20] =	vst v1  }
0x50: {  	[tilespmem:s25+$0x10] =	vst v1  }
.Ltmp2:
0x51: {  	[tilespmem:s28+$0x10] =	vst v1;
	(pc) =	sbr.rel @p1 .LBB2_2-.Ltmp2, $4  }
0x52: {  	[tilespmem:s25+$0xFFFFFFD0] =	vst v1  }
0x53: {  	[tilespmem:s25+$0xFFFFFFE0] =	vst v1  }
0x54: {  	[tilespmem:s28+$0xFFFFFFD0] =	vst v1  }
0x55: {  	s28 =	sadd.s32 $0x80, s28;
	[tilespmem:s25+$0xFFFFFFF0] =	vst v1  }
0x56: {  	[tilespmem:s24+$0xFFFFFFE0] =	vst v1  }
0x57: {  	[tilespmem:s24+$0x0] =	vst v1  }
0x58: {  	[tilespmem:s24+$0xFFFFFFF0] =	vst v1  }
0x59: {  	[tilespmem:$0x9D80] =	vst v0  }
0x5a: {  	[tilespmem:$0xC500] =	vst v1  }
0x5b: {  	[tilespmem:$0xEC80] =	vst v1  }
0x5c: {  	_ =	swait.ge [sflag:s16], $0x2780  }
0x5d: {  	[sflag:s16] =	ssyncset.done $0x0  }
0x5e: {  	[sflag:s16] =	ssyncadd.s32 $0xFFFFD880  }
0x5f: {  	_ =	swait.ge [sflag:s16], $0x2700  }
0x60: {  	[sflag:s16] =	ssyncset.done $0x0  }
0x61: {  	s23 =	simm.s32 $0x2880;
	[sflag:s16] =	ssyncadd.s32 $0xFFFFD900  }
0x62: {  	v15 =	vld [tilespmem:s23+$0xC0]  }
0x63: {  	v6 =	vld [tilespmem:s23+$0xFFFFFF00]  }
0x64: {  	v4 =	vld [tilespmem:s23+$0xFFFFFF80]  }
0x65: {  	v5 =	vld [tilespmem:s23+$0xFFFFFF90]  }
0x66: {  	v16 =	vld [tilespmem:s23+$0xFFFFFF10]  }
0x67: {  	v18 =	vld [tilespmem:s23+$0xFFFFFF50]  }
0x68: {  	v14 =	vld [tilespmem:s23+$0x10]  }
0x69: {  	v17 =	vld [tilespmem:s23+$0x20]  }
0x6a: {  	v19 =	vld [tilespmem:s23+$0xB0]  }
0x6b: {  	v9 =	vld [tilespmem:s23+$0xF0]  }
0x6c: {  	v8 =	vld [tilespmem:s23+$0x70]  }
0x6d: {  	v20 =	vld [tilespmem:s23+$0x0]  }
0x6e: {  	v11 =	vld [tilespmem:s23+$0xD0]  }
0x6f: {  	v10 =	vld [tilespmem:s23+$0x40]  }
0x70: {  	v7 =	vld [tilespmem:s23+$0xFFFFFFC0]  }
0x71: {  	v21 =	vld [tilespmem:s23+$0xFFFFFFA0]  }
0x72: {  	v22 =	vld [tilespmem:s23+$0xFFFFFF20]  }
0x73: {  	v23 =	vld [tilespmem:s23+$0xE0]  }
0x74: {  	v24 =	vld [tilespmem:s23+$0x60]  }
0x75: {  	v26 =	vld [tilespmem:s23+$0x50]  }
0x76: {  	v27 =	vld [tilespmem:s23+$0xFFFFFF60]  }
0x77: {  	v28 =	vld [tilespmem:s23+$0xA0]  }
0x78: {  	v29 =	vld [tilespmem:s23+$0x30]  }
0x79: {  	v30 =	vld [tilespmem:s23+$0xFFFFFF40]  }
0x7a: {  	v31 =	vld [tilespmem:s23+$0xFFFFFF70]  }
0x7b: {  	v34 =	vld [tilespmem:s23+$0xFFFFFF30]  }
0x7c: {  	v6 =	vld.idx.msk [tilespmem:v6+s3+$0x0], $0xffff  }
0x7d: {  	v12 =	vld.idx.msk [tilespmem:v9+s3+$0x0], $0xffff  }
0x7e: {  	v13 =	vld.idx.msk [tilespmem:v8+s3+$0x0], $0xffff  }
0x7f: {  	v25 =	vld.idx.msk [tilespmem:v10+s3+$0x0], $0xffff  }
0x80: {  	v10 =	vld [tilespmem:s23+$0x80]  }
0x81: {  	v8 =	vld [tilespmem:s23+$0x90]  }
0x82: {  	v26 =	vld.idx.msk [tilespmem:v26+s3+$0x0], $0xffff  }
0x83: {  	v32 =	vld.idx.msk [tilespmem:v15+s3+$0x0], $0xffff  }
0x84: {  	v33 =	vld.idx.msk [tilespmem:v19+s3+$0x0], $0xffff  }
0x85: {  	v53 =	vld.idx.msk [tilespmem:v29+s3+$0x0], $0xffff  }
0x86: {  	v54 =	vld.idx.msk [tilespmem:v23+s3+$0x0], $0xffff  }
0x87: {  	v35 =	vld.idx.msk [tilespmem:v28+s3+$0x0], $0xffff  }
0x88: {  	v24 =	vld.idx.msk [tilespmem:v24+s3+$0x0], $0xffff  }
0x89: {  	v56 =	vld.idx.msk [tilespmem:v17+s3+$0x0], $0xffff  }
0x8a: {  	v57 =	vld.idx.msk [tilespmem:v21+s3+$0x0], $0xffff  }
0x8b: {  	v22 =	vld.idx.msk [tilespmem:v22+s3+$0x0], $0xffff  }
0x8c: {  	v36 =	vld.idx.msk [tilespmem:v7+s3+$0x0], $0xffff  }
0x8d: {  	v14 =	vld.idx.msk [tilespmem:v14+s3+$0x0], $0xffff  }
0x8e: {  	v58 =	vld.idx.msk [tilespmem:v20+s3+$0x0], $0xffff;
	vm0 =	vge.f32 v12, v13  }
0x8f: {  	v20 =	vld.idx.msk [tilespmem:v31+s3+$0x0], $0xffff;
	vm1 =	veq.f32 v12, v13;
	v12 =	vsel vm0, $0x4001, v2  }
0x90: {  	[tilespmem:v9+s17+$0x0] =	vst.idx.add.s32.msk $0xffff, v12  }
0x91: {  	[tilespmem:v9+s18+$0x0] =	vst.idx.add.f32.msk $0xffff, v13  }
0x92: {  	v13 =	vld.idx.msk [tilespmem:v11+s3+$0x0], $0xffff  }
0x93: {  	v12 =	vld [tilespmem:s23+$0xFFFFFFE0]  }
0x94: {  	v18 =	vld.idx.msk [tilespmem:v18+s3+$0x0], $0xffff  }
0x95: {  	v61 =	vld.idx.msk [tilespmem:v4+s3+$0x0], $0xffff  }
0x96: {  	v62 =	vld.idx.msk [tilespmem:v5+s3+$0x0], $0xffff  }
0x97: {  	[tilespmem:v9+s19+$0x0] =	vst.idx.add.f32.msk vm1, v3;
	vm0 =	vge.f32 v13, v26  }
0x98: {  	v9 =	vld [tilespmem:s23+$0xFFFFFFD0];
	vm1 =	veq.f32 v13, v26;
	v13 =	vsel vm0, $0x4001, v2  }
0x99: {  	[tilespmem:v11+s17+$0x0] =	vst.idx.add.s32.msk $0xffff, v13  }
0x9a: {  	v13 =	vld [tilespmem:s23+$0xFFFFFFF0]  }
0x9b: {  	vm0 =	vge.f32 v33, v53;
	v60 =	vld.idx.msk [tilespmem:v12+s3+$0x0], $0xffff  }
0x9c: {  	v55 =	vsel vm0, $0x4001, v2;
	vm0 =	vge.f32 v54, v24;
	[tilespmem:v11+s18+$0x0] =	vst.idx.add.f32.msk $0xffff, v26  }
0x9d: {  	[tilespmem:v19+s17+$0x0] =	vst.idx.add.s32.msk $0xffff, v55;
	v17 =	vsel vm0, $0x4001, v2;
	vm0 =	veq.f32 v54, v24  }
0x9e: {  	[tilespmem:v19+s18+$0x0] =	vst.idx.add.f32.msk $0xffff, v53  }
0x9f: {  	[tilespmem:v23+s17+$0x0] =	vst.idx.add.s32.msk $0xffff, v17  }
0xa0: {  	[tilespmem:v11+s19+$0x0] =	vst.idx.add.f32.msk vm1, v3;
	vm1 =	veq.f32 v33, v53  }
0xa1: {  	[tilespmem:v23+s18+$0x0] =	vst.idx.add.f32.msk $0xffff, v24  }
0xa2: {  	v11 =	vld [tilespmem:s23+$0xFFFFFFB0]  }
0xa3: {  	[tilespmem:v23+s19+$0x0] =	vst.idx.add.f32.msk vm0, v3  }
0xa4: {  	v23 =	vld.idx.msk [tilespmem:v8+s3+$0x0], $0xffff  }
0xa5: {  	vm2 =	vge.f32 v57, v22;
	v59 =	vld.idx.msk [tilespmem:v13+s3+$0x0], $0xffff  }
0xa6: {  	[tilespmem:v19+s19+$0x0] =	vst.idx.add.f32.msk vm1, v3;
	vm1 =	vge.f32 v35, v56;
	v19 =	vsel vm2, $0x4001, v2  }
0xa7: {  	vm0 =	veq.f32 v57, v22;
	v17 =	vsel vm1, $0x4001, v2;
	[tilespmem:v21+s17+$0x0] =	vst.idx.add.s32.msk $0xffff, v19  }
0xa8: {  	vm1 =	veq.f32 v35, v56;
	[tilespmem:v28+s17+$0x0] =	vst.idx.add.s32.msk $0xffff, v17  }
0xa9: {  	v17 =	vld.idx.msk [tilespmem:v30+s3+$0x0], $0xffff  }
0xaa: {  	[tilespmem:v21+s18+$0x0] =	vst.idx.add.f32.msk $0xffff, v22  }
0xab: {  	v22 =	vld.idx.msk [tilespmem:v10+s3+$0x0], $0xffff  }
0xac: {  	[tilespmem:v28+s18+$0x0] =	vst.idx.add.f32.msk $0xffff, v56  }
0xad: {  	[tilespmem:v21+s19+$0x0] =	vst.idx.add.f32.msk vm0, v3;
	vm0 =	veq.f32 v32, v25  }
0xae: {  	[tilespmem:v28+s19+$0x0] =	vst.idx.add.f32.msk vm1, v3;
	vm1 =	vge.f32 v32, v25  }
0xaf: {  	v21 =	vld.idx.msk [tilespmem:v9+s3+$0x0], $0xffff;
	v19 =	vsel vm1, $0x4001, v2  }
0xb0: {  	[tilespmem:v15+s17+$0x0] =	vst.idx.add.s32.msk $0xffff, v19  }
0xb1: {  	v19 =	vld.idx.msk [tilespmem:v27+s3+$0x0], $0xffff  }
0xb2: {  	[tilespmem:v15+s18+$0x0] =	vst.idx.add.f32.msk $0xffff, v25  }
0xb3: {  	[tilespmem:v15+s19+$0x0] =	vst.idx.add.f32.msk vm0, v3  }
0xb4: {  	vm5 =	vge.f32 v59, v20;
	vm1 =	vge.f32 v23, v14;
	v15 =	vld.idx.msk [tilespmem:v16+s3+$0x0], $0xffff  }
0xb5: {  	vm0 =	veq.f32 v23, v14;
	v23 =	vsel vm1, $0x4001, v2;
	vm1 =	vge.f32 v22, v58;
	v16 =	vld.idx.msk [tilespmem:v11+s3+$0x0], $0xffff  }
0xb6: {  	vm7 =	veq.f32 v59, v20;
	vm2 =	veq.f32 v22, v58;
	[tilespmem:v8+s17+$0x0] =	vst.idx.add.s32.msk $0xffff, v23;
	v22 =	vsel vm1, $0x4001, v2  }
0xb7: {  	vm4 =	vge.f32 v36, v17;
	vm3 =	veq.f32 v36, v17;
	v23 =	vsel vm5, $0x4001, v2;
	[tilespmem:v10+s17+$0x0] =	vst.idx.add.s32.msk $0xffff, v22  }
0xb8: {  	vm6 =	vge.f32 v21, v18;
	vm1 =	veq.f32 v21, v18;
	[tilespmem:v13+s17+$0x0] =	vst.idx.add.s32.msk $0xffff, v23  }
0xb9: {  	vm5 =	vge.f32 v61, v6;
	v22 =	vsel vm4, $0x4001, v2;
	v23 =	vld.idx.msk [tilespmem:v34+s3+$0x0], $0xffff;
	vm4 =	vge.f32 v60, v19  }
0xba: {  	vm9 =	veq.f32 v60, v19;
	[tilespmem:v10+s18+$0x0] =	vst.idx.add.f32.msk $0xffff, v58;
	v63 =	vsel vm4, $0x4001, v2;
	vm4 =	veq.f32 v61, v6  }
0xbb: {  	s26 =	simm.s32 $0x0;
	s24 =	simm.s32 $0x2800;
	v21 =	vsel vm5, $0x4001, v2;
	vm8 =	vge.f32 v62, v15;
	vm5 =	veq.f32 v62, v15;
	[tilespmem:v12+s17+$0x0] =	vst.idx.add.s32.msk $0xffff, v63  }
.LBB2_4:
0xbc: {  	s26 =	sadd.s32 $0x10, s26;
	[tilespmem:v13+s18+$0x0] =	vst.idx.add.f32.msk $0xffff, v20;
	s23 =	sadd.s32 $0x200, s23;
	s25 =	simm.s32 $0x2600  }
0xbd: {  	p1 =	slt.u32 s26, $0x120;
	[tilespmem:v13+s19+$0x0] =	vst.idx.add.f32.msk vm7, v3  }
0xbe: {  	[tilespmem:v7+s17+$0x0] =	vst.idx.add.s32.msk $0xffff, v22  }
0xbf: {  	[tilespmem:v12+s18+$0x0] =	vst.idx.add.f32.msk $0xffff, v19  }
0xc0: {  	[tilespmem:v10+s19+$0x0] =	vst.idx.add.f32.msk vm2, v3  }
0xc1: {  	vm2 =	vge.f32 v16, v23;
	[tilespmem:v12+s19+$0x0] =	vst.idx.add.f32.msk vm9, v3  }
0xc2: {  	v10 =	vsel vm2, $0x4001, v2;
	vm2 =	veq.f32 v16, v23;
	[tilespmem:v7+s18+$0x0] =	vst.idx.add.f32.msk $0xffff, v17  }
0xc3: {  	[tilespmem:v7+s19+$0x0] =	vst.idx.add.f32.msk vm3, v3  }
0xc4: {  	v7 =	vsel vm6, $0x4001, v2;
	[tilespmem:v11+s17+$0x0] =	vst.idx.add.s32.msk $0xffff, v10  }
0xc5: {  	[tilespmem:v11+s18+$0x0] =	vst.idx.add.f32.msk $0xffff, v23  }
0xc6: {  	[tilespmem:v9+s17+$0x0] =	vst.idx.add.s32.msk $0xffff, v7  }
0xc7: {  	v7 =	vsel vm8, $0x4001, v2;
	[tilespmem:v8+s18+$0x0] =	vst.idx.add.f32.msk $0xffff, v14  }
0xc8: {  	[tilespmem:v5+s17+$0x0] =	vst.idx.add.s32.msk $0xffff, v7  }
0xc9: {  	[tilespmem:v8+s19+$0x0] =	vst.idx.add.f32.msk vm0, v3  }
0xca: {  	[tilespmem:v4+s17+$0x0] =	vst.idx.add.s32.msk $0xffff, v21  }
0xcb: {  	[tilespmem:v5+s18+$0x0] =	vst.idx.add.f32.msk $0xffff, v15  }
0xcc: {  	[tilespmem:v11+s19+$0x0] =	vst.idx.add.f32.msk vm2, v3  }
0xcd: {  	[tilespmem:v4+s18+$0x0] =	vst.idx.add.f32.msk $0xffff, v6  }
0xce: {  	[tilespmem:v9+s18+$0x0] =	vst.idx.add.f32.msk $0xffff, v18  }
0xcf: {  	[tilespmem:v5+s19+$0x0] =	vst.idx.add.f32.msk vm5, v3  }
0xd0: {  	[tilespmem:v4+s19+$0x0] =	vst.idx.add.f32.msk vm4, v3  }
0xd1: {  	[tilespmem:v9+s19+$0x0] =	vst.idx.add.f32.msk vm1, v3  }
0xd2: {  	v16 =	vld [tilespmem:s23+$0xC0]  }
0xd3: {  	v6 =	vld [tilespmem:s23+$0xFFFFFF00]  }
0xd4: {  	v4 =	vld [tilespmem:s23+$0xFFFFFF80]  }
0xd5: {  	v5 =	vld [tilespmem:s23+$0xFFFFFF90]  }
0xd6: {  	v15 =	vld [tilespmem:s23+$0xFFFFFF10]  }
0xd7: {  	v18 =	vld [tilespmem:s23+$0xFFFFFF50]  }
0xd8: {  	v14 =	vld [tilespmem:s23+$0x10]  }
0xd9: {  	v17 =	vld [tilespmem:s23+$0x20]  }
0xda: {  	v22 =	vld [tilespmem:s23+$0xB0]  }
0xdb: {  	v6 =	vld.idx.msk [tilespmem:v6+s3+$0x0], $0xffff  }
0xdc: {  	v9 =	vld [tilespmem:s23+$0xF0]  }
0xdd: {  	v8 =	vld [tilespmem:s23+$0x70]  }
0xde: {  	v20 =	vld [tilespmem:s23+$0x0]  }
0xdf: {  	v11 =	vld [tilespmem:s23+$0xD0]  }
0xe0: {  	v10 =	vld [tilespmem:s23+$0x40]  }
0xe1: {  	v7 =	vld [tilespmem:s23+$0xFFFFFFC0]  }
0xe2: {  	v21 =	vld [tilespmem:s23+$0xFFFFFFA0]  }
0xe3: {  	v23 =	vld [tilespmem:s23+$0xFFFFFF20]  }
0xe4: {  	v12 =	vld.idx.msk [tilespmem:v9+s3+$0x0], $0xffff  }
0xe5: {  	v13 =	vld.idx.msk [tilespmem:v8+s3+$0x0], $0xffff  }
0xe6: {  	v24 =	vld [tilespmem:s23+$0xE0]  }
0xe7: {  	v25 =	vld [tilespmem:s23+$0x60]  }
0xe8: {  	v26 =	vld.idx.msk [tilespmem:v10+s3+$0x0], $0xffff  }
0xe9: {  	v27 =	vld [tilespmem:s23+$0x50]  }
0xea: {  	v19 =	vld [tilespmem:s23+$0xFFFFFF60]  }
0xeb: {  	vm0 =	vge.f32 v12, v13;
	vm1 =	veq.f32 v12, v13;
	v10 =	vld [tilespmem:s23+$0x80]  }
0xec: {  	v12 =	vsel vm0, $0x4001, v2;
	v8 =	vld [tilespmem:s23+$0x90]  }
0xed: {  	[tilespmem:v9+s17+$0x0] =	vst.idx.add.s32.msk $0xffff, v12  }
0xee: {  	[tilespmem:v9+s18+$0x0] =	vst.idx.add.f32.msk $0xffff, v13  }
0xef: {  	v28 =	vld [tilespmem:s23+$0xA0]  }
0xf0: {  	v13 =	vld.idx.msk [tilespmem:v11+s3+$0x0], $0xffff  }
0xf1: {  	[tilespmem:v9+s19+$0x0] =	vst.idx.add.f32.msk vm1, v3  }
0xf2: {  	v27 =	vld.idx.msk [tilespmem:v27+s3+$0x0], $0xffff  }
0xf3: {  	v29 =	vld [tilespmem:s23+$0x30]  }
0xf4: {  	v9 =	vld [tilespmem:s23+$0xFFFFFFD0]  }
0xf5: {  	v30 =	vld [tilespmem:s23+$0xFFFFFF40]  }
0xf6: {  	v31 =	vld [tilespmem:s23+$0xFFFFFF70]  }
0xf7: {  	v12 =	vld [tilespmem:s23+$0xFFFFFFE0]  }
0xf8: {  	vm0 =	vge.f32 v13, v27;
	vm1 =	veq.f32 v13, v27;
	v32 =	vld.idx.msk [tilespmem:v16+s3+$0x0], $0xffff  }
0xf9: {  	v13 =	vsel vm0, $0x4001, v2;
	v33 =	vld.idx.msk [tilespmem:v22+s3+$0x0], $0xffff  }
0xfa: {  	[tilespmem:v11+s17+$0x0] =	vst.idx.add.s32.msk $0xffff, v13  }
0xfb: {  	[tilespmem:v11+s18+$0x0] =	vst.idx.add.f32.msk $0xffff, v27  }
0xfc: {  	v27 =	vld.idx.msk [tilespmem:v29+s3+$0x0], $0xffff  }
0xfd: {  	v29 =	vld.idx.msk [tilespmem:v24+s3+$0x0], $0xffff  }
0xfe: {  	[tilespmem:v11+s19+$0x0] =	vst.idx.add.f32.msk vm1, v3  }
0xff: {  	v13 =	vld [tilespmem:s23+$0xFFFFFFF0]  }
0x100: {  	v11 =	vld [tilespmem:s23+$0xFFFFFFB0]  }
0x101: {  	v34 =	vld [tilespmem:s23+$0xFFFFFF30]  }
0x102: {  	vm0 =	vge.f32 v33, v27;
	vm1 =	veq.f32 v33, v27;
	v35 =	vld.idx.msk [tilespmem:v28+s3+$0x0], $0xffff  }
0x103: {  	v33 =	vsel vm0, $0x4001, v2;
	v25 =	vld.idx.msk [tilespmem:v25+s3+$0x0], $0xffff  }
0x104: {  	[tilespmem:v22+s17+$0x0] =	vst.idx.add.s32.msk $0xffff, v33  }
0x105: {  	v33 =	vld.idx.msk [tilespmem:v17+s3+$0x0], $0xffff  }
0x106: {  	[tilespmem:v22+s18+$0x0] =	vst.idx.add.f32.msk $0xffff, v27  }
0x107: {  	v17 =	vld.idx.msk [tilespmem:v21+s3+$0x0], $0xffff  }
0x108: {  	v23 =	vld.idx.msk [tilespmem:v23+s3+$0x0], $0xffff  }
0x109: {  	vm0 =	vge.f32 v29, v25;
	[tilespmem:v22+s19+$0x0] =	vst.idx.add.f32.msk vm1, v3;
	vm1 =	veq.f32 v29, v25  }
0x10a: {  	v27 =	vsel vm0, $0x4001, v2;
	v22 =	vld.idx.msk [tilespmem:v7+s3+$0x0], $0xffff  }
0x10b: {  	vm0 =	vge.f32 v35, v33;
	vm2 =	veq.f32 v35, v33;
	[tilespmem:v24+s17+$0x0] =	vst.idx.add.s32.msk $0xffff, v27  }
0x10c: {  	v14 =	vld.idx.msk [tilespmem:v14+s3+$0x0], $0xffff  }
0x10d: {  	v27 =	vsel vm0, $0x4001, v2;
	[tilespmem:v24+s18+$0x0] =	vst.idx.add.f32.msk $0xffff, v25  }
0x10e: {  	vm0 =	vge.f32 v17, v23;
	vm3 =	veq.f32 v17, v23;
	[tilespmem:v28+s17+$0x0] =	vst.idx.add.s32.msk $0xffff, v27  }
0x10f: {  	v17 =	vld.idx.msk [tilespmem:v30+s3+$0x0], $0xffff  }
0x110: {  	v25 =	vsel vm0, $0x4001, v2;
	[tilespmem:v28+s18+$0x0] =	vst.idx.add.f32.msk $0xffff, v33  }
0x111: {  	[tilespmem:v24+s19+$0x0] =	vst.idx.add.f32.msk vm1, v3  }
0x112: {  	[tilespmem:v21+s17+$0x0] =	vst.idx.add.s32.msk $0xffff, v25  }
0x113: {  	v24 =	vld.idx.msk [tilespmem:v8+s3+$0x0], $0xffff  }
0x114: {  	vm0 =	vge.f32 v32, v26;
	vm1 =	veq.f32 v32, v26;
	[tilespmem:v28+s19+$0x0] =	vst.idx.add.f32.msk vm2, v3  }
0x115: {  	[tilespmem:v21+s18+$0x0] =	vst.idx.add.f32.msk $0xffff, v23;
	v23 =	vsel vm0, $0x4001, v2  }
0x116: {  	v25 =	vld.idx.msk [tilespmem:v10+s3+$0x0], $0xffff  }
0x117: {  	v27 =	vld.idx.msk [tilespmem:v20+s3+$0x0], $0xffff  }
0x118: {  	[tilespmem:v21+s19+$0x0] =	vst.idx.add.f32.msk vm3, v3  }
0x119: {  	vm3 =	vge.f32 v24, v14;
	vm0 =	veq.f32 v24, v14;
	v20 =	vld.idx.msk [tilespmem:v31+s3+$0x0], $0xffff  }
0x11a: {  	[tilespmem:v16+s17+$0x0] =	vst.idx.add.s32.msk $0xffff, v23  }
0x11b: {  	[tilespmem:v16+s18+$0x0] =	vst.idx.add.f32.msk $0xffff, v26  }
0x11c: {  	v21 =	vld.idx.msk [tilespmem:v9+s3+$0x0], $0xffff  }
0x11d: {  	vm4 =	vge.f32 v25, v27;
	vm2 =	veq.f32 v25, v27;
	v23 =	vld.idx.msk [tilespmem:v13+s3+$0x0], $0xffff  }
0x11e: {  	v25 =	vsel vm3, $0x4001, v2;
	v24 =	vld.idx.msk [tilespmem:v12+s3+$0x0], $0xffff  }
0x11f: {  	v18 =	vld.idx.msk [tilespmem:v18+s3+$0x0], $0xffff  }
0x120: {  	vm5 =	vge.f32 v22, v17;
	vm3 =	veq.f32 v22, v17;
	v19 =	vld.idx.msk [tilespmem:v19+s3+$0x0], $0xffff  }
0x121: {  	v22 =	vsel vm5, $0x4001, v2;
	[tilespmem:v16+s19+$0x0] =	vst.idx.add.f32.msk vm1, v3  }
0x122: {  	v26 =	vld.idx.msk [tilespmem:v4+s3+$0x0], $0xffff  }
0x123: {  	vm5 =	vge.f32 v23, v20;
	vm7 =	veq.f32 v23, v20;
	v28 =	vld.idx.msk [tilespmem:v5+s3+$0x0], $0xffff  }
0x124: {  	v23 =	vsel vm4, $0x4001, v2;
	v15 =	vld.idx.msk [tilespmem:v15+s3+$0x0], $0xffff  }
0x125: {  	v29 =	vsel vm5, $0x4001, v2;
	vm1 =	veq.f32 v21, v18;
	[tilespmem:v8+s17+$0x0] =	vst.idx.add.s32.msk $0xffff, v25  }
0x126: {  	vm6 =	vge.f32 v21, v18;
	vm4 =	vge.f32 v24, v19;
	v16 =	vld.idx.msk [tilespmem:v11+s3+$0x0], $0xffff  }
.Ltmp3:
0x127: {  	vm9 =	veq.f32 v24, v19;
	[tilespmem:v10+s17+$0x0] =	vst.idx.add.s32.msk $0xffff, v23;
	(pc) =	sbr.rel @p1 .LBB2_4-.Ltmp3, $4  }
0x128: {  	v24 =	vsel vm4, $0x4001, v2;
	vm5 =	vge.f32 v26, v6;
	[tilespmem:v13+s17+$0x0] =	vst.idx.add.s32.msk $0xffff, v29  }
0x129: {  	vm4 =	veq.f32 v26, v6;
	v21 =	vsel vm5, $0x4001, v2;
	[tilespmem:v10+s18+$0x0] =	vst.idx.add.f32.msk $0xffff, v27  }
0x12a: {  	vm8 =	vge.f32 v28, v15;
	vm5 =	veq.f32 v28, v15;
	v23 =	vld.idx.msk [tilespmem:v34+s3+$0x0], $0xffff  }
0x12b: {  	s28 =	simm.s32 $0x2780;
	[tilespmem:v12+s17+$0x0] =	vst.idx.add.s32.msk $0xffff, v24  }
0x12c: {  	_ =	sdelay $0x3  }
0x12d: {  	[tilespmem:v13+s18+$0x0] =	vst.idx.add.f32.msk $0xffff, v20  }
0x12e: {  	[tilespmem:v7+s17+$0x0] =	vst.idx.add.s32.msk $0xffff, v22  }
0x12f: {  	[tilespmem:v12+s18+$0x0] =	vst.idx.add.f32.msk $0xffff, v19  }
0x130: {  	[tilespmem:v10+s19+$0x0] =	vst.idx.add.f32.msk vm2, v3  }
0x131: {  	[tilespmem:v8+s18+$0x0] =	vst.idx.add.f32.msk $0xffff, v14  }
0x132: {  	[tilespmem:v4+s17+$0x0] =	vst.idx.add.s32.msk $0xffff, v21  }
0x133: {  	[tilespmem:v13+s19+$0x0] =	vst.idx.add.f32.msk vm7, v3  }
0x134: {  	[tilespmem:v12+s19+$0x0] =	vst.idx.add.f32.msk vm9, v3  }
0x135: {  	v62 =	vsel vm6, $0x4001, v2;
	[tilespmem:v7+s18+$0x0] =	vst.idx.add.f32.msk $0xffff, v17  }
0x136: {  	v63 =	vsel vm8, $0x4001, v2;
	[tilespmem:v9+s17+$0x0] =	vst.idx.add.s32.msk $0xffff, v62  }
0x137: {  	[tilespmem:v5+s17+$0x0] =	vst.idx.add.s32.msk $0xffff, v63  }
0x138: {  	[tilespmem:v8+s19+$0x0] =	vst.idx.add.f32.msk vm0, v3  }
0x139: {  	[tilespmem:v4+s18+$0x0] =	vst.idx.add.f32.msk $0xffff, v6  }
0x13a: {  	[tilespmem:v7+s19+$0x0] =	vst.idx.add.f32.msk vm3, v3  }
0x13b: {  	[tilespmem:v5+s18+$0x0] =	vst.idx.add.f32.msk $0xffff, v15  }
0x13c: {  	[tilespmem:v9+s18+$0x0] =	vst.idx.add.f32.msk $0xffff, v18;
	vm15 =	veq.f32 v16, v23  }
0x13d: {  	[tilespmem:v4+s19+$0x0] =	vst.idx.add.f32.msk vm4, v3  }
0x13e: {  	vm14 =	vge.f32 v16, v23;
	[tilespmem:v5+s19+$0x0] =	vst.idx.add.f32.msk vm5, v3  }
0x13f: {  	[tilespmem:v9+s19+$0x0] =	vst.idx.add.f32.msk vm1, v3;
	v61 =	vsel vm14, $0x4001, v2  }
0x140: {  	[tilespmem:v11+s17+$0x0] =	vst.idx.add.s32.msk $0xffff, v61  }
0x141: {  	[tilespmem:v11+s18+$0x0] =	vst.idx.add.f32.msk $0xffff, v23  }
0x142: {  	[tilespmem:v11+s19+$0x0] =	vst.idx.add.f32.msk vm15, v3  }
.LBB2_6:
0x143: {  	s23 =	sand.u32 $0x3FFFFF00, s25  }
0x144: {  	s26 =	sadd.s32 s23, s28  }
0x145: {  	s23 =	sadd.s32 s23, s24;
	v4 =	vld [tilespmem:s26+$0x0]  }
0x146: {  	v5 =	vld [tilespmem:s23+$0x0];
	_ =	sdelay $0x6  }
0x147: {  	v4 =	vld.idx.msk [tilespmem:v4+s3+$0x0], $0xffff  }
0x148: {  	v6 =	vld.idx.msk [tilespmem:v5+s3+$0x0], $0xffff;
	_ =	sdelay $0x4  }
0x149: {  	vm0 =	veq.f32 v6, v4  }
0x14a: {  	p1 =	sne.s32 s25, $0x26E0  }
.Ltmp4:
0x14b: {  	vm1 =	vge.f32 v6, v4;
	(pc) =	sbr.rel @p1 .LBB2_6-.Ltmp4, $4  }
0x14c: {  	v6 =	vsel vm1, $0x4001, v2  }
0x14d: {  	[tilespmem:v5+s17+$0x0] =	vst.idx.add.s32.msk $0xffff, v6  }
0x14e: {  	[tilespmem:v5+s18+$0x0] =	vst.idx.add.f32.msk $0xffff, v4  }
0x14f: {  	s25 =	sadd.s32 $0x20, s25;
	s24 =	sadd.s32 $0x10, s24;
	s28 =	sadd.s32 $0x10, s28;
	[tilespmem:v5+s19+$0x0] =	vst.idx.add.f32.msk vm0, v3  }
0x150: {  	_ =	swait.ge [sflag:s16], $0x2800  }
0x151: {  	[sflag:s16] =	ssyncset.done $0x0  }
0x152: {  	s23 =	simm.s32 $0x5070;
	[sflag:s16] =	ssyncadd.s32 $0xFFFFD800  }
0x153: {  	v4 =	vld [tilespmem:s23+$0xFFFFFEA0]  }
0x154: {  	v12 =	vld [tilespmem:s23+$0xFFFFFF20]  }
0x155: {  	v13 =	vld [tilespmem:s23+$0xFFFFFE20]  }
0x156: {  	v10 =	vld [tilespmem:s23+$0xFFFFFF80]  }
0x157: {  	v7 =	vld [tilespmem:s23+$0xFFFFFE10]  }
0x158: {  	v5 =	vld [tilespmem:s23+$0xFFFFFE90]  }
0x159: {  	v6 =	vld [tilespmem:s23+$0xFFFFFEE0]  }
0x15a: {  	v14 =	vld [tilespmem:s23+$0xFFFFFE50]  }
0x15b: {  	v9 =	vld [tilespmem:s23+$0xFFFFFEC0]  }
0x15c: {  	v18 =	vld [tilespmem:s23+$0xFFFFFEB0]  }
0x15d: {  	v15 =	vld [tilespmem:s23+$0xFFFFFFC0]  }
0x15e: {  	v11 =	vld [tilespmem:s23+$0x0]  }
0x15f: {  	v19 =	vld [tilespmem:s23+$0xFFFFFE70]  }
0x160: {  	v20 =	vld [tilespmem:s23+$0xFFFFFEF0]  }
0x161: {  	v8 =	vld [tilespmem:s23+$0xFFFFFF00]  }
0x162: {  	v17 =	vld [tilespmem:s23+$0xFFFFFE80]  }
0x163: {  	v16 =	vld [tilespmem:s23+$0xFFFFFF30]  }
0x164: {  	v21 =	vld [tilespmem:s23+$0xFFFFFFB0]  }
0x165: {  	v24 =	vld [tilespmem:s23+$0xFFFFFF50]  }
0x166: {  	v25 =	vld [tilespmem:s23+$0xFFFFFFF0]  }
0x167: {  	v26 =	vld [tilespmem:s23+$0xFFFFFF70]  }
0x168: {  	v27 =	vld [tilespmem:s23+$0xFFFFFFE0]  }
0x169: {  	v28 =	vld [tilespmem:s23+$0xFFFFFF60]  }
0x16a: {  	v29 =	vld [tilespmem:s23+$0xFFFFFE60]  }
0x16b: {  	v46 =	vld [tilespmem:s23+$0xFFFFFF10]  }
0x16c: {  	v30 =	vld [tilespmem:s23+$0xFFFFFE40]  }
0x16d: {  	v31 =	vld [tilespmem:s23+$0xFFFFFFA0]  }
0x16e: {  	v47 =	vld [tilespmem:s23+$0xFFFFFFD0]  }
0x16f: {  	v48 =	vld [tilespmem:s23+$0xFFFFFF40]  }
0x170: {  	v33 =	vld [tilespmem:s23+$0xFFFFFE30]  }
0x171: {  	v7 =	vld.idx.msk [tilespmem:v7+s3+$0x0], $0xffff  }
0x172: {  	v22 =	vld.idx.msk [tilespmem:v11+s3+$0x0], $0xffff  }
0x173: {  	v23 =	vld.idx.msk [tilespmem:v10+s3+$0x0], $0xffff  }
0x174: {  	v10 =	vld [tilespmem:s23+$0xFFFFFED0]  }
0x175: {  	v43 =	vld.idx.msk [tilespmem:v25+s3+$0x0], $0xffff  }
0x176: {  	v44 =	vld.idx.msk [tilespmem:v26+s3+$0x0], $0xffff  }
0x177: {  	v45 =	vld.idx.msk [tilespmem:v28+s3+$0x0], $0xffff  }
0x178: {  	v49 =	vld.idx.msk [tilespmem:v47+s3+$0x0], $0xffff  }
0x179: {  	v24 =	vld.idx.msk [tilespmem:v24+s3+$0x0], $0xffff  }
0x17a: {  	v50 =	vld.idx.msk [tilespmem:v15+s3+$0x0], $0xffff  }
0x17b: {  	v51 =	vld.idx.msk [tilespmem:v21+s3+$0x0], $0xffff  }
0x17c: {  	v16 =	vld.idx.msk [tilespmem:v16+s3+$0x0], $0xffff  }
0x17d: {  	v53 =	vld.idx.msk [tilespmem:v31+s3+$0x0], $0xffff  }
0x17e: {  	v12 =	vld.idx.msk [tilespmem:v12+s3+$0x0], $0xffff  }
0x17f: {  	v56 =	vld.idx.msk [tilespmem:v33+s3+$0x0], $0xffff  }
0x180: {  	v57 =	vld.idx.msk [tilespmem:v9+s3+$0x0], $0xffff  }
0x181: {  	v14 =	vld.idx.msk [tilespmem:v14+s3+$0x0], $0xffff  }
0x182: {  	v58 =	vld.idx.msk [tilespmem:v17+s3+$0x0], $0xffff;
	vm1 =	veq.f32 v22, v23  }
0x183: {  	v59 =	vld.idx.msk [tilespmem:v8+s3+$0x0], $0xffff  }
0x184: {  	v19 =	vld.idx.msk [tilespmem:v19+s3+$0x0], $0xffff;
	vm0 =	vge.f32 v22, v23  }
0x185: {  	v60 =	vld.idx.msk [tilespmem:v6+s3+$0x0], $0xffff;
	v42 =	vsel vm0, $0x4001, v2  }
0x186: {  	[tilespmem:v11+s17+$0x0] =	vst.idx.add.s32.msk $0xffff, v42  }
0x187: {  	[tilespmem:v11+s18+$0x0] =	vst.idx.add.f32.msk $0xffff, v23  }
0x188: {  	[tilespmem:v11+s19+$0x0] =	vst.idx.add.f32.msk vm1, v3  }
0x189: {  	vm0 =	vge.f32 v43, v44;
	v11 =	vld.idx.msk [tilespmem:v27+s3+$0x0], $0xffff;
	vm1 =	veq.f32 v43, v44  }
0x18a: {  	v13 =	vld.idx.msk [tilespmem:v13+s3+$0x0], $0xffff;
	v32 =	vsel vm0, $0x4001, v2  }
0x18b: {  	[tilespmem:v25+s17+$0x0] =	vst.idx.add.s32.msk $0xffff, v32  }
0x18c: {  	v23 =	vld.idx.msk [tilespmem:v48+s3+$0x0], $0xffff  }
0x18d: {  	v62 =	vld.idx.msk [tilespmem:v10+s3+$0x0], $0xffff  }
0x18e: {  	[tilespmem:v25+s18+$0x0] =	vst.idx.add.f32.msk $0xffff, v44;
	vm0 =	vge.f32 v11, v45  }
0x18f: {  	vm2 =	veq.f32 v11, v45;
	v11 =	vsel vm0, $0x4001, v2;
	[tilespmem:v25+s19+$0x0] =	vst.idx.add.f32.msk vm1, v3  }
0x190: {  	[tilespmem:v27+s17+$0x0] =	vst.idx.add.s32.msk $0xffff, v11  }
0x191: {  	vm0 =	vge.f32 v49, v24;
	v11 =	vld [tilespmem:s23+$0xFFFFFF90]  }
0x192: {  	v34 =	vsel vm0, $0x4001, v2;
	[tilespmem:v27+s18+$0x0] =	vst.idx.add.f32.msk $0xffff, v45  }
0x193: {  	vm0 =	vge.f32 v50, v23;
	[tilespmem:v47+s17+$0x0] =	vst.idx.add.s32.msk $0xffff, v34  }
0x194: {  	v54 =	vsel vm0, $0x4001, v2;
	[tilespmem:v47+s18+$0x0] =	vst.idx.add.f32.msk $0xffff, v24  }
0x195: {  	vm0 =	vge.f32 v51, v16;
	[tilespmem:v15+s17+$0x0] =	vst.idx.add.s32.msk $0xffff, v54  }
0x196: {  	vm1 =	veq.f32 v49, v24;
	v55 =	vsel vm0, $0x4001, v2;
	[tilespmem:v15+s18+$0x0] =	vst.idx.add.f32.msk $0xffff, v23  }
0x197: {  	[tilespmem:v21+s17+$0x0] =	vst.idx.add.s32.msk $0xffff, v55  }
0x198: {  	[tilespmem:v27+s19+$0x0] =	vst.idx.add.f32.msk vm2, v3;
	vm2 =	veq.f32 v50, v23  }
0x199: {  	vm0 =	vge.f32 v53, v12;
	[tilespmem:v21+s18+$0x0] =	vst.idx.add.f32.msk $0xffff, v16  }
0x19a: {  	vm3 =	veq.f32 v51, v16;
	v17 =	vsel vm0, $0x4001, v2;
	v16 =	vld.idx.msk [tilespmem:v30+s3+$0x0], $0xffff  }
0x19b: {  	[tilespmem:v31+s17+$0x0] =	vst.idx.add.s32.msk $0xffff, v17  }
0x19c: {  	[tilespmem:v47+s19+$0x0] =	vst.idx.add.f32.msk vm1, v3;
	vm1 =	veq.f32 v53, v12  }
0x19d: {  	v17 =	vld.idx.msk [tilespmem:v46+s3+$0x0], $0xffff  }
0x19e: {  	[tilespmem:v15+s19+$0x0] =	vst.idx.add.f32.msk vm2, v3  }
0x19f: {  	v15 =	vld.idx.msk [tilespmem:v18+s3+$0x0], $0xffff  }
0x1a0: {  	[tilespmem:v21+s19+$0x0] =	vst.idx.add.f32.msk vm3, v3  }
0x1a1: {  	[tilespmem:v31+s18+$0x0] =	vst.idx.add.f32.msk $0xffff, v12  }
0x1a2: {  	[tilespmem:v31+s19+$0x0] =	vst.idx.add.f32.msk vm1, v3;
	vm1 =	vge.f32 v59, v58  }
0x1a3: {  	v52 =	vld.idx.msk [tilespmem:v11+s3+$0x0], $0xffff;
	v61 =	vsel vm1, $0x4001, v2  }
0x1a4: {  	[tilespmem:v8+s17+$0x0] =	vst.idx.add.s32.msk $0xffff, v61;
	vm0 =	vge.f32 v15, v56  }
0x1a5: {  	[tilespmem:v8+s18+$0x0] =	vst.idx.add.f32.msk $0xffff, v58;
	v12 =	vsel vm0, $0x4001, v2  }
0x1a6: {  	vm1 =	vge.f32 v62, v14;
	vm0 =	veq.f32 v15, v56;
	[tilespmem:v18+s17+$0x0] =	vst.idx.add.s32.msk $0xffff, v12  }
0x1a7: {  	v63 =	vsel vm1, $0x4001, v2;
	v12 =	vld.idx.msk [tilespmem:v20+s3+$0x0], $0xffff  }
0x1a8: {  	[tilespmem:v10+s17+$0x0] =	vst.idx.add.s32.msk $0xffff, v63  }
0x1a9: {  	[tilespmem:v10+s18+$0x0] =	vst.idx.add.f32.msk $0xffff, v14  }
0x1aa: {  	v15 =	vld.idx.msk [tilespmem:v29+s3+$0x0], $0xffff  }
0x1ab: {  	[tilespmem:v18+s18+$0x0] =	vst.idx.add.f32.msk $0xffff, v56  }
0x1ac: {  	[tilespmem:v18+s19+$0x0] =	vst.idx.add.f32.msk vm0, v3;
	vm0 =	vge.f32 v12, v19  }
0x1ad: {  	vm4 =	veq.f32 v12, v19;
	v12 =	vld.idx.msk [tilespmem:v5+s3+$0x0], $0xffff;
	v18 =	vsel vm0, $0x4001, v2  }
0x1ae: {  	vm5 =	vge.f32 v52, v17;
	[tilespmem:v20+s17+$0x0] =	vst.idx.add.s32.msk $0xffff, v18  }
0x1af: {  	p1 =	sgt.u32 s7, $0x148;
	vm9 =	veq.f32 v62, v14;
	v14 =	vsel vm5, $0x4001, v2;
	v18 =	vld.idx.msk [tilespmem:v4+s3+$0x0], $0xffff  }
.Ltmp5:
0x1b0: {  	vm7 =	vge.f32 v57, v16;
	[tilespmem:v11+s17+$0x0] =	vst.idx.add.s32.msk $0xffff, v14;
	(pc) =	sbr.rel @!p1 .LBB2_9-.Ltmp5, $4  }
0x1b1: {  	vm3 =	veq.f32 v57, v16;
	vm1 =	veq.f32 v52, v17;
	[tilespmem:v20+s18+$0x0] =	vst.idx.add.f32.msk $0xffff, v19;
	v19 =	vsel vm7, $0x4001, v2  }
0x1b2: {  	vm6 =	vge.f32 v60, v15;
	vm2 =	veq.f32 v60, v15;
	[tilespmem:v9+s17+$0x0] =	vst.idx.add.s32.msk $0xffff, v19  }
0x1b3: {  	vm0 =	veq.f32 v59, v58;
	vm7 =	vge.f32 v12, v7;
	[tilespmem:v20+s19+$0x0] =	vst.idx.add.f32.msk vm4, v3  }
0x1b4: {  	s24 =	simm.s32 $0x148;
	vm4 =	veq.f32 v12, v7;
	vm8 =	vge.f32 v18, v13;
	vm5 =	veq.f32 v18, v13  }
.LBB2_8:
0x1b5: {  	s24 =	sadd.s32 $0x10, s24;
	[tilespmem:v10+s19+$0x0] =	vst.idx.add.f32.msk vm9, v3;
	s23 =	sadd.s32 $0x200, s23  }
0x1b6: {  	p1 =	slt.u32 s24, s7;
	[tilespmem:v9+s18+$0x0] =	vst.idx.add.f32.msk $0xffff, v16  }
0x1b7: {  	[tilespmem:v9+s19+$0x0] =	vst.idx.add.f32.msk vm3, v3  }
0x1b8: {  	v9 =	vsel vm6, $0x4001, v2;
	[tilespmem:v11+s18+$0x0] =	vst.idx.add.f32.msk $0xffff, v17  }
0x1b9: {  	[tilespmem:v6+s17+$0x0] =	vst.idx.add.s32.msk $0xffff, v9  }
0x1ba: {  	[tilespmem:v6+s18+$0x0] =	vst.idx.add.f32.msk $0xffff, v15  }
0x1bb: {  	[tilespmem:v11+s19+$0x0] =	vst.idx.add.f32.msk vm1, v3  }
0x1bc: {  	[tilespmem:v6+s19+$0x0] =	vst.idx.add.f32.msk vm2, v3  }
0x1bd: {  	v9 =	vsel vm8, $0x4001, v2;
	v6 =	vsel vm7, $0x4001, v2;
	[tilespmem:v8+s19+$0x0] =	vst.idx.add.f32.msk vm0, v3  }
0x1be: {  	[tilespmem:v4+s17+$0x0] =	vst.idx.add.s32.msk $0xffff, v9  }
0x1bf: {  	[tilespmem:v5+s17+$0x0] =	vst.idx.add.s32.msk $0xffff, v6  }
0x1c0: {  	[tilespmem:v5+s18+$0x0] =	vst.idx.add.f32.msk $0xffff, v7  }
0x1c1: {  	[tilespmem:v5+s19+$0x0] =	vst.idx.add.f32.msk vm4, v3  }
0x1c2: {  	[tilespmem:v4+s18+$0x0] =	vst.idx.add.f32.msk $0xffff, v13  }
0x1c3: {  	[tilespmem:v4+s19+$0x0] =	vst.idx.add.f32.msk vm5, v3  }
0x1c4: {  	v4 =	vld [tilespmem:s23+$0xFFFFFEA0]  }
0x1c5: {  	v16 =	vld [tilespmem:s23+$0xFFFFFF20]  }
0x1c6: {  	v13 =	vld [tilespmem:s23+$0xFFFFFE20]  }
0x1c7: {  	v10 =	vld [tilespmem:s23+$0xFFFFFF80]  }
0x1c8: {  	v7 =	vld [tilespmem:s23+$0xFFFFFE10]  }
0x1c9: {  	v5 =	vld [tilespmem:s23+$0xFFFFFE90]  }
0x1ca: {  	v6 =	vld [tilespmem:s23+$0xFFFFFEE0]  }
0x1cb: {  	v17 =	vld [tilespmem:s23+$0xFFFFFE50]  }
0x1cc: {  	v9 =	vld [tilespmem:s23+$0xFFFFFEC0]  }
0x1cd: {  	v14 =	vld [tilespmem:s23+$0xFFFFFEB0]  }
0x1ce: {  	v20 =	vld [tilespmem:s23+$0xFFFFFFC0]  }
0x1cf: {  	v11 =	vld [tilespmem:s23+$0x0]  }
0x1d0: {  	v7 =	vld.idx.msk [tilespmem:v7+s3+$0x0], $0xffff  }
0x1d1: {  	v15 =	vld [tilespmem:s23+$0xFFFFFE70]  }
0x1d2: {  	v12 =	vld [tilespmem:s23+$0xFFFFFEF0]  }
0x1d3: {  	v8 =	vld [tilespmem:s23+$0xFFFFFF00]  }
0x1d4: {  	v19 =	vld [tilespmem:s23+$0xFFFFFE80]  }
0x1d5: {  	v21 =	vld [tilespmem:s23+$0xFFFFFF30]  }
0x1d6: {  	v22 =	vld [tilespmem:s23+$0xFFFFFFB0]  }
0x1d7: {  	v23 =	vld.idx.msk [tilespmem:v11+s3+$0x0], $0xffff  }
0x1d8: {  	v24 =	vld.idx.msk [tilespmem:v10+s3+$0x0], $0xffff  }
0x1d9: {  	v25 =	vld [tilespmem:s23+$0xFFFFFF50]  }
0x1da: {  	v26 =	vld [tilespmem:s23+$0xFFFFFFF0]  }
0x1db: {  	v27 =	vld [tilespmem:s23+$0xFFFFFF70]  }
0x1dc: {  	v28 =	vld [tilespmem:s23+$0xFFFFFFE0]  }
0x1dd: {  	v29 =	vld [tilespmem:s23+$0xFFFFFF60]  }
0x1de: {  	vm0 =	vge.f32 v23, v24;
	vm1 =	veq.f32 v23, v24;
	v18 =	vld [tilespmem:s23+$0xFFFFFE60]  }
0x1df: {  	v23 =	vsel vm0, $0x4001, v2;
	v10 =	vld [tilespmem:s23+$0xFFFFFED0]  }
0x1e0: {  	[tilespmem:v11+s17+$0x0] =	vst.idx.add.s32.msk $0xffff, v23  }
0x1e1: {  	[tilespmem:v11+s18+$0x0] =	vst.idx.add.f32.msk $0xffff, v24  }
0x1e2: {  	v23 =	vld.idx.msk [tilespmem:v26+s3+$0x0], $0xffff  }
0x1e3: {  	v24 =	vld.idx.msk [tilespmem:v27+s3+$0x0], $0xffff  }
0x1e4: {  	[tilespmem:v11+s19+$0x0] =	vst.idx.add.f32.msk vm1, v3  }
0x1e5: {  	v11 =	vld.idx.msk [tilespmem:v28+s3+$0x0], $0xffff  }
0x1e6: {  	v27 =	vld.idx.msk [tilespmem:v29+s3+$0x0], $0xffff  }
0x1e7: {  	v29 =	vld [tilespmem:s23+$0xFFFFFF10]  }
0x1e8: {  	v30 =	vld [tilespmem:s23+$0xFFFFFE40]  }
0x1e9: {  	vm0 =	vge.f32 v23, v24;
	vm1 =	veq.f32 v23, v24;
	v31 =	vld [tilespmem:s23+$0xFFFFFFA0]  }
0x1ea: {  	v32 =	vsel vm0, $0x4001, v2;
	v23 =	vld [tilespmem:s23+$0xFFFFFFD0]  }
0x1eb: {  	[tilespmem:v26+s17+$0x0] =	vst.idx.add.s32.msk $0xffff, v32  }
0x1ec: {  	vm0 =	vge.f32 v11, v27;
	vm2 =	veq.f32 v11, v27;
	[tilespmem:v26+s18+$0x0] =	vst.idx.add.f32.msk $0xffff, v24  }
0x1ed: {  	v11 =	vsel vm0, $0x4001, v2;
	v24 =	vld [tilespmem:s23+$0xFFFFFF40]  }
0x1ee: {  	[tilespmem:v28+s17+$0x0] =	vst.idx.add.s32.msk $0xffff, v11  }
0x1ef: {  	[tilespmem:v28+s18+$0x0] =	vst.idx.add.f32.msk $0xffff, v27  }
0x1f0: {  	[tilespmem:v26+s19+$0x0] =	vst.idx.add.f32.msk vm1, v3  }
0x1f1: {  	v11 =	vld [tilespmem:s23+$0xFFFFFF90]  }
0x1f2: {  	[tilespmem:v28+s19+$0x0] =	vst.idx.add.f32.msk vm2, v3  }
0x1f3: {  	v26 =	vld.idx.msk [tilespmem:v23+s3+$0x0], $0xffff  }
0x1f4: {  	v25 =	vld.idx.msk [tilespmem:v25+s3+$0x0], $0xffff  }
0x1f5: {  	v27 =	vld.idx.msk [tilespmem:v20+s3+$0x0], $0xffff  }
0x1f6: {  	v24 =	vld.idx.msk [tilespmem:v24+s3+$0x0], $0xffff  }
0x1f7: {  	v28 =	vld.idx.msk [tilespmem:v22+s3+$0x0], $0xffff  }
0x1f8: {  	v21 =	vld.idx.msk [tilespmem:v21+s3+$0x0], $0xffff  }
0x1f9: {  	v32 =	vld.idx.msk [tilespmem:v11+s3+$0x0], $0xffff  }
0x1fa: {  	vm0 =	vge.f32 v26, v25;
	vm1 =	veq.f32 v26, v25;
	v33 =	vld [tilespmem:s23+$0xFFFFFE30]  }
0x1fb: {  	v34 =	vsel vm0, $0x4001, v2;
	v26 =	vld.idx.msk [tilespmem:v31+s3+$0x0], $0xffff  }
0x1fc: {  	vm0 =	vge.f32 v27, v24;
	vm2 =	veq.f32 v27, v24;
	[tilespmem:v23+s17+$0x0] =	vst.idx.add.s32.msk $0xffff, v34  }
0x1fd: {  	v27 =	vsel vm0, $0x4001, v2;
	[tilespmem:v23+s18+$0x0] =	vst.idx.add.f32.msk $0xffff, v25  }
0x1fe: {  	vm0 =	vge.f32 v28, v21;
	vm3 =	veq.f32 v28, v21;
	[tilespmem:v20+s17+$0x0] =	vst.idx.add.s32.msk $0xffff, v27  }
0x1ff: {  	[tilespmem:v20+s18+$0x0] =	vst.idx.add.f32.msk $0xffff, v24  }
0x200: {  	v24 =	vsel vm0, $0x4001, v2;
	[tilespmem:v23+s19+$0x0] =	vst.idx.add.f32.msk vm1, v3  }
0x201: {  	[tilespmem:v22+s17+$0x0] =	vst.idx.add.s32.msk $0xffff, v24  }
0x202: {  	[tilespmem:v22+s18+$0x0] =	vst.idx.add.f32.msk $0xffff, v21  }
0x203: {  	[tilespmem:v20+s19+$0x0] =	vst.idx.add.f32.msk vm2, v3  }
0x204: {  	v20 =	vld.idx.msk [tilespmem:v16+s3+$0x0], $0xffff  }
0x205: {  	v21 =	vld.idx.msk [tilespmem:v14+s3+$0x0], $0xffff  }
0x206: {  	[tilespmem:v22+s19+$0x0] =	vst.idx.add.f32.msk vm3, v3  }
0x207: {  	v22 =	vld.idx.msk [tilespmem:v33+s3+$0x0], $0xffff  }
0x208: {  	v23 =	vld.idx.msk [tilespmem:v9+s3+$0x0], $0xffff  }
0x209: {  	v16 =	vld.idx.msk [tilespmem:v30+s3+$0x0], $0xffff  }
0x20a: {  	vm0 =	vge.f32 v26, v20;
	vm1 =	veq.f32 v26, v20;
	v24 =	vld.idx.msk [tilespmem:v17+s3+$0x0], $0xffff  }
0x20b: {  	v17 =	vsel vm0, $0x4001, v2;
	v19 =	vld.idx.msk [tilespmem:v19+s3+$0x0], $0xffff  }
0x20c: {  	[tilespmem:v31+s17+$0x0] =	vst.idx.add.s32.msk $0xffff, v17  }
0x20d: {  	vm0 =	vge.f32 v21, v22;
	vm2 =	veq.f32 v21, v22;
	v17 =	vld.idx.msk [tilespmem:v29+s3+$0x0], $0xffff  }
0x20e: {  	[tilespmem:v31+s18+$0x0] =	vst.idx.add.f32.msk $0xffff, v20  }
0x20f: {  	v20 =	vsel vm0, $0x4001, v2;
	v21 =	vld.idx.msk [tilespmem:v8+s3+$0x0], $0xffff  }
0x210: {  	[tilespmem:v14+s17+$0x0] =	vst.idx.add.s32.msk $0xffff, v20  }
0x211: {  	[tilespmem:v31+s19+$0x0] =	vst.idx.add.f32.msk vm1, v3  }
0x212: {  	[tilespmem:v14+s18+$0x0] =	vst.idx.add.f32.msk $0xffff, v22  }
0x213: {  	v20 =	vld.idx.msk [tilespmem:v12+s3+$0x0], $0xffff  }
0x214: {  	v22 =	vld.idx.msk [tilespmem:v15+s3+$0x0], $0xffff  }
0x215: {  	vm1 =	vge.f32 v21, v19;
	vm0 =	veq.f32 v21, v19;
	v25 =	vld.idx.msk [tilespmem:v6+s3+$0x0], $0xffff  }
0x216: {  	v15 =	vld.idx.msk [tilespmem:v18+s3+$0x0], $0xffff;
	v18 =	vsel vm1, $0x4001, v2  }
0x217: {  	v21 =	vld.idx.msk [tilespmem:v10+s3+$0x0], $0xffff  }
0x218: {  	[tilespmem:v8+s17+$0x0] =	vst.idx.add.s32.msk $0xffff, v18  }
0x219: {  	vm4 =	vge.f32 v32, v17;
	vm1 =	veq.f32 v32, v17;
	[tilespmem:v8+s18+$0x0] =	vst.idx.add.f32.msk $0xffff, v19  }
0x21a: {  	vm3 =	veq.f32 v23, v16;
	[tilespmem:v14+s19+$0x0] =	vst.idx.add.f32.msk vm2, v3;
	vm2 =	vge.f32 v23, v16  }
0x21b: {  	vm5 =	vge.f32 v20, v22;
	vm8 =	veq.f32 v20, v22;
	v13 =	vld.idx.msk [tilespmem:v13+s3+$0x0], $0xffff;
	v14 =	vsel vm2, $0x4001, v2  }
0x21c: {  	v19 =	vsel vm5, $0x4001, v2;
	vm6 =	vge.f32 v25, v15;
	vm2 =	veq.f32 v25, v15;
	v18 =	vld.idx.msk [tilespmem:v5+s3+$0x0], $0xffff  }
0x21d: {  	vm5 =	vge.f32 v21, v24;
	vm9 =	veq.f32 v21, v24;
	[tilespmem:v12+s17+$0x0] =	vst.idx.add.s32.msk $0xffff, v19;
	v19 =	vsel vm4, $0x4001, v2  }
0x21e: {  	v20 =	vld.idx.msk [tilespmem:v4+s3+$0x0], $0xffff  }
0x21f: {  	v21 =	vsel vm5, $0x4001, v2;
	[tilespmem:v12+s18+$0x0] =	vst.idx.add.f32.msk $0xffff, v22  }
.Ltmp6:
0x220: {  	[tilespmem:v10+s17+$0x0] =	vst.idx.add.s32.msk $0xffff, v21;
	(pc) =	sbr.rel @p1 .LBB2_8-.Ltmp6, $4  }
0x221: {  	[tilespmem:v10+s18+$0x0] =	vst.idx.add.f32.msk $0xffff, v24  }
0x222: {  	vm7 =	vge.f32 v18, v7;
	vm4 =	veq.f32 v18, v7;
	[tilespmem:v12+s19+$0x0] =	vst.idx.add.f32.msk vm8, v3  }
0x223: {  	[tilespmem:v11+s17+$0x0] =	vst.idx.add.s32.msk $0xffff, v19  }
0x224: {  	vm8 =	vge.f32 v20, v13;
	vm5 =	veq.f32 v20, v13;
	[tilespmem:v9+s17+$0x0] =	vst.idx.add.s32.msk $0xffff, v14  }
.LBB2_9:
0x225: {  	_ =	sdelay $0x4  }
0x226: {  	[tilespmem:v10+s19+$0x0] =	vst.idx.add.f32.msk vm9, v3  }
0x227: {  	[tilespmem:v9+s18+$0x0] =	vst.idx.add.f32.msk $0xffff, v16  }
0x228: {  	[tilespmem:v11+s18+$0x0] =	vst.idx.add.f32.msk $0xffff, v17  }
0x229: {  	[tilespmem:v8+s19+$0x0] =	vst.idx.add.f32.msk vm0, v3  }
0x22a: {  	v61 =	vsel vm6, $0x4001, v2;
	[tilespmem:v9+s19+$0x0] =	vst.idx.add.f32.msk vm3, v3  }
0x22b: {  	[tilespmem:v6+s17+$0x0] =	vst.idx.add.s32.msk $0xffff, v61  }
0x22c: {  	v62 =	vsel vm8, $0x4001, v2;
	[tilespmem:v11+s19+$0x0] =	vst.idx.add.f32.msk vm1, v3  }
0x22d: {  	v63 =	vsel vm7, $0x4001, v2;
	[tilespmem:v4+s17+$0x0] =	vst.idx.add.s32.msk $0xffff, v62  }
0x22e: {  	[tilespmem:v5+s17+$0x0] =	vst.idx.add.s32.msk $0xffff, v63  }
0x22f: {  	[tilespmem:v6+s18+$0x0] =	vst.idx.add.f32.msk $0xffff, v15  }
.Ltmp7:
0x230: {  	[tilespmem:v5+s18+$0x0] =	vst.idx.add.f32.msk $0xffff, v7;
	(pc) =	sbr.rel @p0 .LBB2_11-.Ltmp7, $4  }
0x231: {  	[tilespmem:v4+s18+$0x0] =	vst.idx.add.f32.msk $0xffff, v13  }
0x232: {  	[tilespmem:v6+s19+$0x0] =	vst.idx.add.f32.msk vm2, v3  }
0x233: {  	[tilespmem:v5+s19+$0x0] =	vst.idx.add.f32.msk vm4, v3  }
0x234: {  	s23 =	smov.u32 s13;
	s24 =	smov.u32 s12;
	s25 =	smov.u32 s7;
	[tilespmem:v4+s19+$0x0] =	vst.idx.add.f32.msk vm5, v3  }
.LBB2_10:
0x235: {  	s26 =	sand.u32 $0x70, s23;
	s28 =	sand.u32 $0x7FFFFF00, s24  }
0x236: {  	s26 =	sor.u32 s26, s28  }
0x237: {  	v4 =	vld [tilespmem:s26+$0x2780]  }
0x238: {  	v5 =	vld [tilespmem:s26+$0x2800];
	_ =	sdelay $0x6  }
0x239: {  	v4 =	vld.idx.msk [tilespmem:v4+s3+$0x0], $0xffff  }
0x23a: {  	v6 =	vld.idx.msk [tilespmem:v5+s3+$0x0], $0xffff;
	_ =	sdelay $0x4  }
0x23b: {  	s25 =	sadd.s32 $0x1, s25;
	vm0 =	veq.f32 v6, v4  }
0x23c: {  	p1 =	slt.u32 s25, s4  }
.Ltmp8:
0x23d: {  	vm1 =	vge.f32 v6, v4;
	(pc) =	sbr.rel @p1 .LBB2_10-.Ltmp8, $4  }
0x23e: {  	v6 =	vsel vm1, $0x4001, v2  }
0x23f: {  	[tilespmem:v5+s17+$0x0] =	vst.idx.add.s32.msk $0xffff, v6  }
0x240: {  	[tilespmem:v5+s18+$0x0] =	vst.idx.add.f32.msk $0xffff, v4  }
0x241: {  	s24 =	sadd.s32 $0x20, s24;
	s23 =	sadd.s32 $0x10, s23;
	[tilespmem:v5+s19+$0x0] =	vst.idx.add.f32.msk vm0, v3  }
.Ltmp9:
0x242: {  	_ = 	snop;
	(pc) =	sbr.rel .LBB2_11-.Ltmp9, $1  }
0x243: {  	_ =	sdelay $0x3  }
.LBB2_12:
0x244: {  	_ =	sfence.sel $0x180000  }
0x245: {  	[bflag:$0x0] =	sbarrier.arrive $0xFFFF  }
0x246: {  	p0 =	sne.s32 s0, $0x0;
	_ =	strace $0x90000047  }
0x247: {  	s0 =	sadd.s32 @!p0 $0x100000, s2;
	[bflag:$0x2] =	sbarrier.arrive $0xFFFF  }
0x248: {  	[sflag:s0] =	ssyncadd.tile.s32 @!p0 $0x1;
	_ =	shalt  }
.Lfunc_end2:
_tile_overlayer_lowered:
.L_overlay_start_2:
0x249: {  	(tag) =	ssettag $0x2  }
0x24a: {  	s0 =	rddreg [dreg:$0x0];
	s2 =	stileid.u32  }
0x24b: {  	s1 =	rddreg [dreg:$0x1];
	p0 =	sne.s32 s2, $0x0  }
0x24c: {  	s3 =	rddreg [dreg:$0x2];
	[bflag:$0x3] =	sbarrier.arrive $0xFFFF;
	s2 =	simm.s32 @!p0 $0x1C02  }
0x24d: {  	[timem:s3], [sflag:s2] =	dma.local @!p0 [hbm:s0], s1  }
0x24e: {  	s0 =	simm.s32 @!p0 $0x2  }
0x24f: {  	_ =	swait.ge @!p0 [sflag:s0], s1  }
0x250: {  	s1 =	ssub.s32 @!p0 $0x0, s1;
	[sflag:s0] =	ssyncset.done @!p0 $0x0  }
0x251: {  	[sflag:s0] =	ssyncadd.s32 @!p0 s1  }
0x252: {  	[bflag:$0x3] =	sbarrier.arrive $0xFFFF  }
0x253: {  	_ =	shalt  }

</sc_bundles>
